<compile_context>
chip_gen: v7x
topology: tpu7x:2x2x1
jax: 0.10.2.dev20260603
libtpu: 0.0.44.dev20260713+nightly
codegen_flags: <defaults>
</compile_context>

<pallas_src>
import functools

import jax
import jax.numpy as jnp
from jax import lax
from jax.experimental import pallas as pl
from jax.experimental.pallas import tpu as pltpu
from jax.experimental.pallas import tpu_sc as plsc

EMBEDDING_DIM = 128
NUM_WORKERS = 32
NBUF = 6


def _build_gather(nids, nrows):
    rpw = nrows // NUM_WORKERS
    nch = nids
    mesh = plsc.VectorSubcoreMesh(core_axis_name="c", subcore_axis_name="s")

    @functools.partial(
        pl.kernel,
        mesh=mesh,
        out_type=jax.ShapeDtypeStruct((nids, nrows, EMBEDDING_DIM),
                                      jnp.float32),
        scratch_types=[
            pltpu.VMEM((nids, rpw), jnp.int32),
            pltpu.VMEM((NBUF, rpw, EMBEDDING_DIM), jnp.float32),
            pltpu.SemaphoreType.DMA((NBUF,)),
            pltpu.SemaphoreType.DMA((NBUF,)),
        ],
    )
    def gather_kernel(table_hbm, xt_hbm, out_hbm, idx_v, rows_v, gsem, wsem):
        wid = lax.axis_index("s") * 2 + lax.axis_index("c")
        base = wid * rpw
        pltpu.sync_copy(xt_hbm.at[:, pl.ds(base, rpw)], idx_v)

        def start_gather(c, b):
            pltpu.async_copy(
                table_hbm.at[idx_v.at[c]], rows_v.at[b], gsem.at[b]
            )

        def wait_gather(c, b):
            pltpu.make_async_copy(
                table_hbm.at[idx_v.at[c]], rows_v.at[b], gsem.at[b]
            ).wait()

        def start_write(c, b):
            pltpu.async_copy(
                rows_v.at[b], out_hbm.at[c, pl.ds(base, rpw)], wsem.at[b]
            )

        def wait_write(c, b):
            pltpu.make_async_copy(
                rows_v.at[b], out_hbm.at[c, pl.ds(base, rpw)], wsem.at[b]
            ).wait()

        for c in range(NBUF):
            start_gather(c, c % NBUF)
        wait_gather(0, 0)
        start_write(0, 0)

        n_steady = (nch - NBUF - 1) // NBUF

        def body(p, carry):
            for r in range(NBUF):
                c = 1 + p * NBUF + r
                b = (1 + r) % NBUF
                wait_write(c - 1, r % NBUF)
                start_gather(c + NBUF - 1, r % NBUF)
                wait_gather(c, b)
                start_write(c, b)
            return carry

        lax.fori_loop(0, n_steady, body, 0)

        first_tail = 1 + n_steady * NBUF
        for c in range(first_tail, nch):
            b = c % NBUF
            wait_write(c - 1, (c - 1) % NBUF)
            if c + NBUF - 1 < nch:
                start_gather(c + NBUF - 1, (c - 1) % NBUF)
            wait_gather(c, b)
            start_write(c, b)
        wait_write(nch - 1, (nch - 1) % NBUF)

    return gather_kernel


def kernel(x, weight):
    xt = x.astype(jnp.int32).T
    out_t = _build_gather(xt.shape[0], xt.shape[1])(weight, xt)
    return jnp.transpose(out_t, (1, 0, 2))

# --- scband reference (transcript-rebuilt; emitter-appended) ---
"""Pipeline reference for scband-vocab-parallel-embedding-39032662786058 (READ-ONLY COPY).

The authoritative reference and input builder live on the scoring server;
editing this copy changes nothing except your own understanding.
"""

import jax, jax.numpy as jnp
import numpy as np

NUM_EMBEDDINGS = 100000
EMBEDDING_DIM = 128

def setup_inputs(seed: int = 0) -> dict:
    key = jax.random.key(seed)
    k1, k2 = jax.random.split(key)
    x = jax.random.randint(k1, (4096, 50), 0, NUM_EMBEDDINGS, dtype=jnp.int64 if jax.config.jax_enable_x64 else jnp.int32)
    weight = jax.random.normal(k2, (NUM_EMBEDDINGS, EMBEDDING_DIM), dtype=jnp.float32) * 0.02
    return {"x": x, "weight": weight}

def reference(x, weight):
    # tp_size == 1 path: plain embedding lookup, F.embedding(x, weight)
    y = jnp.take(weight, x, axis=0)
    return y

if __name__ == "__main__":
    import jax
    _d = setup_inputs()
    print(jax.jit(kernel)(*tuple(_d.values())))

</pallas_src>

<mosaic_0001>
#map = affine_map<(d0, d1) -> (0, 0)>
#map1 = affine_map<(d0, d1) -> (0, 0, 0)>
module attributes {stable_mosaic.version = 14 : i64} {
  func.func @gather_kernel(%arg0: i32, %arg1: i32, %arg2: memref<100000x128xf32, #tpu.memory_space<hbm>>, %arg3: memref<50x4096xi32, #tpu.memory_space<hbm>>, %arg4: memref<50x4096x128xf32, #tpu.memory_space<hbm>>, %arg5: memref<50x128xi32, #tpu.memory_space<vmem>>, %arg6: memref<6x128x128xf32, #tpu.memory_space<vmem>>, %arg7: memref<6x!tpu.dma_semaphore, #tpu.memory_space<semaphore_mem>>, %arg8: memref<6x!tpu.dma_semaphore, #tpu.memory_space<semaphore_mem>>) attributes {dimension_semantics = [#tpu.dimension_semantics<core_parallel>, #tpu.dimension_semantics<subcore_parallel>], iteration_bounds = array<i64: 2, 16>, scalar_prefetch = 0 : i64, scratch_operands = 4 : i64, tpu.core_type = #tpu.core_type<sc_vector_subcore>, window_params = [{transform_indices = #map}, {transform_indices = #map}, {transform_indices = #map1}]} {
    %mul3A = arith.constant 2 : i32
    %mul3A_0 = arith.muli %arg1, %mul3A : i32
    %add3A = arith.addi %mul3A_0, %arg0 : i32
    %mul3A_1 = arith.constant 128 : i32
    %mul3A_2 = arith.muli %add3A, %mul3A_1 : i32
    "tpu.region"() ({
      %run_scoped3A = tpu.sem_alloc : memref<!tpu.dma_semaphore, #tpu.memory_space<semaphore_mem>>
      %dma_start3A_550 = arith.constant 0 : i32
      %dma_start3A_551 = tpu.memref_slice %arg3[%dma_start3A_550, %mul3A_2] : memref<50x4096xi32, #tpu.memory_space<hbm>> -> memref<50x128xi32, #tpu.memory_space<hbm>>
      %dma_start3A_552 = arith.constant 0 : i32
      %dma_start3A_553 = tpu.memref_slice %arg3[%dma_start3A_552, %mul3A_2] : memref<50x4096xi32, #tpu.memory_space<hbm>> -> memref<50x128xi32, #tpu.memory_space<hbm>>
      tpu.enqueue_dma source(%dma_start3A_553 : memref<50x128xi32, #tpu.memory_space<hbm>>) target(%arg5 : memref<50x128xi32, #tpu.memory_space<vmem>>) target_semaphore(%run_scoped3A : memref<!tpu.dma_semaphore, #tpu.memory_space<semaphore_mem>>)
      %dma_wait3A_554 = arith.constant 0 : i32
      %dma_wait3A_555 = tpu.memref_slice %arg3[%dma_wait3A_554, %mul3A_2] : memref<50x4096xi32, #tpu.memory_space<hbm>> -> memref<50x128xi32, #tpu.memory_space<hbm>>
      %dma_wait3A_556 = arith.constant 0 : i32
      %dma_wait3A_557 = tpu.memref_slice %arg3[%dma_wait3A_556, %mul3A_2] : memref<50x4096xi32, #tpu.memory_space<hbm>> -> memref<50x128xi32, #tpu.memory_space<hbm>>
      tpu.wait_dma2 semaphore(%run_scoped3A : memref<!tpu.dma_semaphore, #tpu.memory_space<semaphore_mem>>) src(%dma_wait3A_557 : memref<50x128xi32, #tpu.memory_space<hbm>>) dst(%arg5 : memref<50x128xi32, #tpu.memory_space<vmem>>)
      tpu.yield
    }) : () -> ()
    %dma_start3A = arith.constant 0 : i32
    %dma_start3A_3 = arith.constant 0 : i32
    %dma_start3A_4 = arith.constant 0 : i32
    %dma_start3A_5 = arith.constant 0 : i32
    %dma_start3A_6 = arith.constant 0 : i32
    %dma_start3A_7 = tpu.memref_slice %arg6[%dma_start3A_3, %dma_start3A_5, %dma_start3A_6] : memref<6x128x128xf32, #tpu.memory_space<vmem>> -> memref<1x128x128xf32, #tpu.memory_space<vmem>>
    %dma_start3A_8 = tpu.memref_squeeze %dma_start3A_7 : memref<1x128x128xf32, #tpu.memory_space<vmem>> -> memref<128x128xf32, #tpu.memory_space<vmem>>
    %dma_start3A_9 = arith.constant 0 : i32
    %dma_start3A_10 = tpu.memref_slice %arg5[%dma_start3A, %dma_start3A_9] : memref<50x128xi32, #tpu.memory_space<vmem>> -> memref<1x128xi32, #tpu.memory_space<vmem>>
    %dma_start3A_11 = tpu.memref_squeeze %dma_start3A_10 : memref<1x128xi32, #tpu.memory_space<vmem>> -> memref<128xi32, #tpu.memory_space<vmem>>
    %dma_start3A_12 = arith.constant 0 : i32
    %dma_start3A_13 = arith.constant 0 : i32
    %dma_start3A_14 = tpu.memref_slice %arg2[%dma_start3A_12, %dma_start3A_13] : memref<100000x128xf32, #tpu.memory_space<hbm>> -> memref<100000x128xf32, #tpu.memory_space<hbm>>
    %dma_start3A_15 = tpu.memref_slice %arg7[%dma_start3A_4] : memref<6x!tpu.dma_semaphore, #tpu.memory_space<semaphore_mem>> -> memref<1x!tpu.dma_semaphore, #tpu.memory_space<semaphore_mem>>
    %dma_start3A_16 = tpu.memref_squeeze %dma_start3A_15 : memref<1x!tpu.dma_semaphore, #tpu.memory_space<semaphore_mem>> -> memref<!tpu.dma_semaphore, #tpu.memory_space<semaphore_mem>>
    tpu.enqueue_indirect_dma source(%dma_start3A_14 : memref<100000x128xf32, #tpu.memory_space<hbm>>) target(%dma_start3A_8 : memref<128x128xf32, #tpu.memory_space<vmem>>) offsets(%dma_start3A_11 : memref<128xi32, #tpu.memory_space<vmem>>) semaphore(%dma_start3A_16 : memref<!tpu.dma_semaphore, #tpu.memory_space<semaphore_mem>>)
    %dma_start3A_17 = arith.constant 1 : i32
    %dma_start3A_18 = arith.constant 1 : i32
    %dma_start3A_19 = arith.constant 1 : i32
    %dma_start3A_20 = arith.constant 0 : i32
    %dma_start3A_21 = arith.constant 0 : i32
    %dma_start3A_22 = tpu.memref_slice %arg6[%dma_start3A_18, %dma_start3A_20, %dma_start3A_21] : memref<6x128x128xf32, #tpu.memory_space<vmem>> -> memref<1x128x128xf32, #tpu.memory_space<vmem>>
    %dma_start3A_23 = tpu.memref_squeeze %dma_start3A_22 : memref<1x128x128xf32, #tpu.memory_space<vmem>> -> memref<128x128xf32, #tpu.memory_space<vmem>>
    %dma_start3A_24 = arith.constant 0 : i32
    %dma_start3A_25 = tpu.memref_slice %arg5[%dma_start3A_17, %dma_start3A_24] : memref<50x128xi32, #tpu.memory_space<vmem>> -> memref<1x128xi32, #tpu.memory_space<vmem>>
    %dma_start3A_26 = tpu.memref_squeeze %dma_start3A_25 : memref<1x128xi32, #tpu.memory_space<vmem>> -> memref<128xi32, #tpu.memory_space<vmem>>
    %dma_start3A_27 = arith.constant 0 : i32
    %dma_start3A_28 = arith.constant 0 : i32
    %dma_start3A_29 = tpu.memref_slice %arg2[%dma_start3A_27, %dma_start3A_28] : memref<100000x128xf32, #tpu.memory_space<hbm>> -> memref<100000x128xf32, #tpu.memory_space<hbm>>
    %dma_start3A_30 = tpu.memref_slice %arg7[%dma_start3A_19] : memref<6x!tpu.dma_semaphore, #tpu.memory_space<semaphore_mem>> -> memref<1x!tpu.dma_semaphore, #tpu.memory_space<semaphore_mem>>
    %dma_start3A_31 = tpu.memref_squeeze %dma_start3A_30 : memref<1x!tpu.dma_semaphore, #tpu.memory_space<semaphore_mem>> -> memref<!tpu.dma_semaphore, #tpu.memory_space<semaphore_mem>>
    tpu.enqueue_indirect_dma source(%dma_start3A_29 : memref<100000x128xf32, #tpu.memory_space<hbm>>) target(%dma_start3A_23 : memref<128x128xf32, #tpu.memory_space<vmem>>) offsets(%dma_start3A_26 : memref<128xi32, #tpu.memory_space<vmem>>) semaphore(%dma_start3A_31 : memref<!tpu.dma_semaphore, #tpu.memory_space<semaphore_mem>>)
    %dma_start3A_32 = arith.constant 2 : i32
    %dma_start3A_33 = arith.constant 2 : i32
    %dma_start3A_34 = arith.constant 2 : i32
    %dma_start3A_35 = arith.constant 0 : i32
    %dma_start3A_36 = arith.constant 0 : i32
    %dma_start3A_37 = tpu.memref_slice %arg6[%dma_start3A_33, %dma_start3A_35, %dma_start3A_36] : memref<6x128x128xf32, #tpu.memory_space<vmem>> -> memref<1x128x128xf32, #tpu.memory_space<vmem>>
    %dma_start3A_38 = tpu.memref_squeeze %dma_start3A_37 : memref<1x128x128xf32, #tpu.memory_space<vmem>> -> memref<128x128xf32, #tpu.memory_space<vmem>>
    %dma_start3A_39 = arith.constant 0 : i32
    %dma_start3A_40 = tpu.memref_slice %arg5[%dma_start3A_32, %dma_start3A_39] : memref<50x128xi32, #tpu.memory_space<vmem>> -> memref<1x128xi32, #tpu.memory_space<vmem>>
    %dma_start3A_41 = tpu.memref_squeeze %dma_start3A_40 : memref<1x128xi32, #tpu.memory_space<vmem>> -> memref<128xi32, #tpu.memory_space<vmem>>
    %dma_start3A_42 = arith.constant 0 : i32
    %dma_start3A_43 = arith.constant 0 : i32
    %dma_start3A_44 = tpu.memref_slice %arg2[%dma_start3A_42, %dma_start3A_43] : memref<100000x128xf32, #tpu.memory_space<hbm>> -> memref<100000x128xf32, #tpu.memory_space<hbm>>
    %dma_start3A_45 = tpu.memref_slice %arg7[%dma_start3A_34] : memref<6x!tpu.dma_semaphore, #tpu.memory_space<semaphore_mem>> -> memref<1x!tpu.dma_semaphore, #tpu.memory_space<semaphore_mem>>
    %dma_start3A_46 = tpu.memref_squeeze %dma_start3A_45 : memref<1x!tpu.dma_semaphore, #tpu.memory_space<semaphore_mem>> -> memref<!tpu.dma_semaphore, #tpu.memory_space<semaphore_mem>>
    tpu.enqueue_indirect_dma source(%dma_start3A_44 : memref<100000x128xf32, #tpu.memory_space<hbm>>) target(%dma_start3A_38 : memref<128x128xf32, #tpu.memory_space<vmem>>) offsets(%dma_start3A_41 : memref<128xi32, #tpu.memory_space<vmem>>) semaphore(%dma_start3A_46 : memref<!tpu.dma_semaphore, #tpu.memory_space<semaphore_mem>>)
    %dma_start3A_47 = arith.constant 3 : i32
    %dma_start3A_48 = arith.constant 3 : i32
    %dma_start3A_49 = arith.constant 3 : i32
    %dma_start3A_50 = arith.constant 0 : i32
    %dma_start3A_51 = arith.constant 0 : i32
    %dma_start3A_52 = tpu.memref_slice %arg6[%dma_start3A_48, %dma_start3A_50, %dma_start3A_51] : memref<6x128x128xf32, #tpu.memory_space<vmem>> -> memref<1x128x128xf32, #tpu.memory_space<vmem>>
    %dma_start3A_53 = tpu.memref_squeeze %dma_start3A_52 : memref<1x128x128xf32, #tpu.memory_space<vmem>> -> memref<128x128xf32, #tpu.memory_space<vmem>>
    %dma_start3A_54 = arith.constant 0 : i32
    %dma_start3A_55 = tpu.memref_slice %arg5[%dma_start3A_47, %dma_start3A_54] : memref<50x128xi32, #tpu.memory_space<vmem>> -> memref<1x128xi32, #tpu.memory_space<vmem>>
    %dma_start3A_56 = tpu.memref_squeeze %dma_start3A_55 : memref<1x128xi32, #tpu.memory_space<vmem>> -> memref<128xi32, #tpu.memory_space<vmem>>
    %dma_start3A_57 = arith.constant 0 : i32
    %dma_start3A_58 = arith.constant 0 : i32
    %dma_start3A_59 = tpu.memref_slice %arg2[%dma_start3A_57, %dma_start3A_58] : memref<100000x128xf32, #tpu.memory_space<hbm>> -> memref<100000x128xf32, #tpu.memory_space<hbm>>
    %dma_start3A_60 = tpu.memref_slice %arg7[%dma_start3A_49] : memref<6x!tpu.dma_semaphore, #tpu.memory_space<semaphore_mem>> -> memref<1x!tpu.dma_semaphore, #tpu.memory_space<semaphore_mem>>
    %dma_start3A_61 = tpu.memref_squeeze %dma_start3A_60 : memref<1x!tpu.dma_semaphore, #tpu.memory_space<semaphore_mem>> -> memref<!tpu.dma_semaphore, #tpu.memory_space<semaphore_mem>>
    tpu.enqueue_indirect_dma source(%dma_start3A_59 : memref<100000x128xf32, #tpu.memory_space<hbm>>) target(%dma_start3A_53 : memref<128x128xf32, #tpu.memory_space<vmem>>) offsets(%dma_start3A_56 : memref<128xi32, #tpu.memory_space<vmem>>) semaphore(%dma_start3A_61 : memref<!tpu.dma_semaphore, #tpu.memory_space<semaphore_mem>>)
    %dma_start3A_62 = arith.constant 4 : i32
    %dma_start3A_63 = arith.constant 4 : i32
    %dma_start3A_64 = arith.constant 4 : i32
    %dma_start3A_65 = arith.constant 0 : i32
    %dma_start3A_66 = arith.constant 0 : i32
    %dma_start3A_67 = tpu.memref_slice %arg6[%dma_start3A_63, %dma_start3A_65, %dma_start3A_66] : memref<6x128x128xf32, #tpu.memory_space<vmem>> -> memref<1x128x128xf32, #tpu.memory_space<vmem>>
    %dma_start3A_68 = tpu.memref_squeeze %dma_start3A_67 : memref<1x128x128xf32, #tpu.memory_space<vmem>> -> memref<128x128xf32, #tpu.memory_space<vmem>>
    %dma_start3A_69 = arith.constant 0 : i32
    %dma_start3A_70 = tpu.memref_slice %arg5[%dma_start3A_62, %dma_start3A_69] : memref<50x128xi32, #tpu.memory_space<vmem>> -> memref<1x128xi32, #tpu.memory_space<vmem>>
    %dma_start3A_71 = tpu.memref_squeeze %dma_start3A_70 : memref<1x128xi32, #tpu.memory_space<vmem>> -> memref<128xi32, #tpu.memory_space<vmem>>
    %dma_start3A_72 = arith.constant 0 : i32
    %dma_start3A_73 = arith.constant 0 : i32
    %dma_start3A_74 = tpu.memref_slice %arg2[%dma_start3A_72, %dma_start3A_73] : memref<100000x128xf32, #tpu.memory_space<hbm>> -> memref<100000x128xf32, #tpu.memory_space<hbm>>
    %dma_start3A_75 = tpu.memref_slice %arg7[%dma_start3A_64] : memref<6x!tpu.dma_semaphore, #tpu.memory_space<semaphore_mem>> -> memref<1x!tpu.dma_semaphore, #tpu.memory_space<semaphore_mem>>
    %dma_start3A_76 = tpu.memref_squeeze %dma_start3A_75 : memref<1x!tpu.dma_semaphore, #tpu.memory_space<semaphore_mem>> -> memref<!tpu.dma_semaphore, #tpu.memory_space<semaphore_mem>>
    tpu.enqueue_indirect_dma source(%dma_start3A_74 : memref<100000x128xf32, #tpu.memory_space<hbm>>) target(%dma_start3A_68 : memref<128x128xf32, #tpu.memory_space<vmem>>) offsets(%dma_start3A_71 : memref<128xi32, #tpu.memory_space<vmem>>) semaphore(%dma_start3A_76 : memref<!tpu.dma_semaphore, #tpu.memory_space<semaphore_mem>>)
    %dma_start3A_77 = arith.constant 5 : i32
    %dma_start3A_78 = arith.constant 5 : i32
    %dma_start3A_79 = arith.constant 5 : i32
    %dma_start3A_80 = arith.constant 0 : i32
    %dma_start3A_81 = arith.constant 0 : i32
    %dma_start3A_82 = tpu.memref_slice %arg6[%dma_start3A_78, %dma_start3A_80, %dma_start3A_81] : memref<6x128x128xf32, #tpu.memory_space<vmem>> -> memref<1x128x128xf32, #tpu.memory_space<vmem>>
    %dma_start3A_83 = tpu.memref_squeeze %dma_start3A_82 : memref<1x128x128xf32, #tpu.memory_space<vmem>> -> memref<128x128xf32, #tpu.memory_space<vmem>>
    %dma_start3A_84 = arith.constant 0 : i32
    %dma_start3A_85 = tpu.memref_slice %arg5[%dma_start3A_77, %dma_start3A_84] : memref<50x128xi32, #tpu.memory_space<vmem>> -> memref<1x128xi32, #tpu.memory_space<vmem>>
    %dma_start3A_86 = tpu.memref_squeeze %dma_start3A_85 : memref<1x128xi32, #tpu.memory_space<vmem>> -> memref<128xi32, #tpu.memory_space<vmem>>
    %dma_start3A_87 = arith.constant 0 : i32
    %dma_start3A_88 = arith.constant 0 : i32
    %dma_start3A_89 = tpu.memref_slice %arg2[%dma_start3A_87, %dma_start3A_88] : memref<100000x128xf32, #tpu.memory_space<hbm>> -> memref<100000x128xf32, #tpu.memory_space<hbm>>
    %dma_start3A_90 = tpu.memref_slice %arg7[%dma_start3A_79] : memref<6x!tpu.dma_semaphore, #tpu.memory_space<semaphore_mem>> -> memref<1x!tpu.dma_semaphore, #tpu.memory_space<semaphore_mem>>
    %dma_start3A_91 = tpu.memref_squeeze %dma_start3A_90 : memref<1x!tpu.dma_semaphore, #tpu.memory_space<semaphore_mem>> -> memref<!tpu.dma_semaphore, #tpu.memory_space<semaphore_mem>>
    tpu.enqueue_indirect_dma source(%dma_start3A_89 : memref<100000x128xf32, #tpu.memory_space<hbm>>) target(%dma_start3A_83 : memref<128x128xf32, #tpu.memory_space<vmem>>) offsets(%dma_start3A_86 : memref<128xi32, #tpu.memory_space<vmem>>) semaphore(%dma_start3A_91 : memref<!tpu.dma_semaphore, #tpu.memory_space<semaphore_mem>>)
    %dma_wait3A = arith.constant 0 : i32
    %dma_wait3A_92 = arith.constant 0 : i32
    %dma_wait3A_93 = arith.constant 0 : i32
    %dma_wait3A_94 = arith.constant 0 : i32
    %dma_wait3A_95 = arith.constant 0 : i32
    %dma_wait3A_96 = tpu.memref_slice %arg6[%dma_wait3A_92, %dma_wait3A_94, %dma_wait3A_95] : memref<6x128x128xf32, #tpu.memory_space<vmem>> -> memref<1x128x128xf32, #tpu.memory_space<vmem>>
    %dma_wait3A_97 = tpu.memref_squeeze %dma_wait3A_96 : memref<1x128x128xf32, #tpu.memory_space<vmem>> -> memref<128x128xf32, #tpu.memory_space<vmem>>
    %dma_wait3A_98 = arith.constant 0 : i32
    %dma_wait3A_99 = tpu.memref_slice %arg5[%dma_wait3A, %dma_wait3A_98] : memref<50x128xi32, #tpu.memory_space<vmem>> -> memref<1x128xi32, #tpu.memory_space<vmem>>
    %dma_wait3A_100 = tpu.memref_squeeze %dma_wait3A_99 : memref<1x128xi32, #tpu.memory_space<vmem>> -> memref<128xi32, #tpu.memory_space<vmem>>
    %dma_wait3A_101 = arith.constant 0 : i32
    %dma_wait3A_102 = arith.constant 0 : i32
    %dma_wait3A_103 = tpu.memref_slice %arg2[%dma_wait3A_101, %dma_wait3A_102] : memref<100000x128xf32, #tpu.memory_space<hbm>> -> memref<100000x128xf32, #tpu.memory_space<hbm>>
    %dma_wait3A_104 = tpu.memref_slice %arg7[%dma_wait3A_93] : memref<6x!tpu.dma_semaphore, #tpu.memory_space<semaphore_mem>> -> memref<1x!tpu.dma_semaphore, #tpu.memory_space<semaphore_mem>>
    %dma_wait3A_105 = tpu.memref_squeeze %dma_wait3A_104 : memref<1x!tpu.dma_semaphore, #tpu.memory_space<semaphore_mem>> -> memref<!tpu.dma_semaphore, #tpu.memory_space<semaphore_mem>>
    tpu.wait_indirect_dma semaphore(%dma_wait3A_105 : memref<!tpu.dma_semaphore, #tpu.memory_space<semaphore_mem>>) src(%dma_wait3A_103 : memref<100000x128xf32, #tpu.memory_space<hbm>>) dst(%dma_wait3A_97 : memref<128x128xf32, #tpu.memory_space<vmem>>)
    %dma_start3A_106 = arith.constant 0 : i32
    %dma_start3A_107 = arith.constant 0 : i32
    %dma_start3A_108 = arith.constant 0 : i32
    %dma_start3A_109 = arith.constant 0 : i32
    %dma_start3A_110 = arith.constant 0 : i32
    %dma_start3A_111 = tpu.memref_slice %arg6[%dma_start3A_106, %dma_start3A_109, %dma_start3A_110] : memref<6x128x128xf32, #tpu.memory_space<vmem>> -> memref<1x128x128xf32, #tpu.memory_space<vmem>>
    %dma_start3A_112 = tpu.memref_squeeze %dma_start3A_111 : memref<1x128x128xf32, #tpu.memory_space<vmem>> -> memref<128x128xf32, #tpu.memory_space<vmem>>
    %dma_start3A_113 = arith.constant 0 : i32
    %dma_start3A_114 = tpu.memref_slice %arg4[%dma_start3A_107, %mul3A_2, %dma_start3A_113] : memref<50x4096x128xf32, #tpu.memory_space<hbm>> -> memref<1x128x128xf32, #tpu.memory_space<hbm>>
    %dma_start3A_115 = tpu.memref_squeeze %dma_start3A_114 : memref<1x128x128xf32, #tpu.memory_space<hbm>> -> memref<128x128xf32, #tpu.memory_space<hbm>>
    %dma_start3A_116 = tpu.memref_slice %arg8[%dma_start3A_108] : memref<6x!tpu.dma_semaphore, #tpu.memory_space<semaphore_mem>> -> memref<1x!tpu.dma_semaphore, #tpu.memory_space<semaphore_mem>>
    %dma_start3A_117 = tpu.memref_squeeze %dma_start3A_116 : memref<1x!tpu.dma_semaphore, #tpu.memory_space<semaphore_mem>> -> memref<!tpu.dma_semaphore, #tpu.memory_space<semaphore_mem>>
    %dma_start3A_118 = arith.constant 0 : i32
    %dma_start3A_119 = tpu.memref_slice %arg4[%dma_start3A_107, %mul3A_2, %dma_start3A_118] : memref<50x4096x128xf32, #tpu.memory_space<hbm>> -> memref<1x128x128xf32, #tpu.memory_space<hbm>>
    %dma_start3A_120 = tpu.memref_squeeze %dma_start3A_119 : memref<1x128x128xf32, #tpu.memory_space<hbm>> -> memref<128x128xf32, #tpu.memory_space<hbm>>
    %dma_start3A_121 = arith.constant 0 : i32
    %dma_start3A_122 = arith.constant 0 : i32
    %dma_start3A_123 = tpu.memref_slice %arg6[%dma_start3A_106, %dma_start3A_121, %dma_start3A_122] : memref<6x128x128xf32, #tpu.memory_space<vmem>> -> memref<1x128x128xf32, #tpu.memory_space<vmem>>
    %dma_start3A_124 = tpu.memref_squeeze %dma_start3A_123 : memref<1x128x128xf32, #tpu.memory_space<vmem>> -> memref<128x128xf32, #tpu.memory_space<vmem>>
    tpu.enqueue_dma source(%dma_start3A_124 : memref<128x128xf32, #tpu.memory_space<vmem>>) target(%dma_start3A_120 : memref<128x128xf32, #tpu.memory_space<hbm>>) target_semaphore(%dma_start3A_117 : memref<!tpu.dma_semaphore, #tpu.memory_space<semaphore_mem>>)
    %scan3A = arith.constant 0 : i32
    %scan3A_125 = arith.constant 0 : i32
    %scan3A_126 = arith.constant 7 : i32
    %scan3A_127 = arith.addi %scan3A_125, %scan3A_126 : i32
    %scan3A_128 = arith.constant 1 : i32
    scf.for %scan3A_550 = %scan3A_125 to %scan3A_127 step %scan3A_128  : i32 {
      %mul3A_551 = arith.constant 6 : i32
      %mul3A_552 = arith.muli %scan3A_550, %mul3A_551 : i32
      %add3A_553 = arith.constant 1 : i32
      %add3A_554 = arith.addi %add3A_553, %mul3A_552 : i32
      %add3A_555 = arith.constant 0 : i32
      %add3A_556 = arith.addi %add3A_554, %add3A_555 : i32
      %sub3A = arith.constant 1 : i32
      %sub3A_557 = arith.subi %add3A_556, %sub3A : i32
      %dma_wait3A_558 = arith.constant 0 : i32
      %dma_wait3A_559 = arith.constant 0 : i32
      %dma_wait3A_560 = arith.constant 0 : i32
      %dma_wait3A_561 = arith.constant 0 : i32
      %dma_wait3A_562 = tpu.memref_slice %arg6[%dma_wait3A_558, %dma_wait3A_560, %dma_wait3A_561] : memref<6x128x128xf32, #tpu.memory_space<vmem>> -> memref<1x128x128xf32, #tpu.memory_space<vmem>>
      %dma_wait3A_563 = tpu.memref_squeeze %dma_wait3A_562 : memref<1x128x128xf32, #tpu.memory_space<vmem>> -> memref<128x128xf32, #tpu.memory_space<vmem>>
      %dma_wait3A_564 = arith.constant 0 : i32
      %dma_wait3A_565 = tpu.memref_slice %arg4[%sub3A_557, %mul3A_2, %dma_wait3A_564] : memref<50x4096x128xf32, #tpu.memory_space<hbm>> -> memref<1x128x128xf32, #tpu.memory_space<hbm>>
      %dma_wait3A_566 = tpu.memref_squeeze %dma_wait3A_565 : memref<1x128x128xf32, #tpu.memory_space<hbm>> -> memref<128x128xf32, #tpu.memory_space<hbm>>
      %dma_wait3A_567 = tpu.memref_slice %arg8[%dma_wait3A_559] : memref<6x!tpu.dma_semaphore, #tpu.memory_space<semaphore_mem>> -> memref<1x!tpu.dma_semaphore, #tpu.memory_space<semaphore_mem>>
      %dma_wait3A_568 = tpu.memref_squeeze %dma_wait3A_567 : memref<1x!tpu.dma_semaphore, #tpu.memory_space<semaphore_mem>> -> memref<!tpu.dma_semaphore, #tpu.memory_space<semaphore_mem>>
      %dma_wait3A_569 = arith.constant 0 : i32
      %dma_wait3A_570 = tpu.memref_slice %arg4[%sub3A_557, %mul3A_2, %dma_wait3A_569] : memref<50x4096x128xf32, #tpu.memory_space<hbm>> -> memref<1x128x128xf32, #tpu.memory_space<hbm>>
      %dma_wait3A_571 = tpu.memref_squeeze %dma_wait3A_570 : memref<1x128x128xf32, #tpu.memory_space<hbm>> -> memref<128x128xf32, #tpu.memory_space<hbm>>
      %dma_wait3A_572 = arith.constant 0 : i32
      %dma_wait3A_573 = arith.constant 0 : i32
      %dma_wait3A_574 = tpu.memref_slice %arg6[%dma_wait3A_558, %dma_wait3A_572, %dma_wait3A_573] : memref<6x128x128xf32, #tpu.memory_space<vmem>> -> memref<1x128x128xf32, #tpu.memory_space<vmem>>
      %dma_wait3A_575 = tpu.memref_squeeze %dma_wait3A_574 : memref<1x128x128xf32, #tpu.memory_space<vmem>> -> memref<128x128xf32, #tpu.memory_space<vmem>>
      tpu.wait_dma2 semaphore(%dma_wait3A_568 : memref<!tpu.dma_semaphore, #tpu.memory_space<semaphore_mem>>) src(%dma_wait3A_575 : memref<128x128xf32, #tpu.memory_space<vmem>>) dst(%dma_wait3A_571 : memref<128x128xf32, #tpu.memory_space<hbm>>)
      %add3A_576 = arith.constant 6 : i32
      %add3A_577 = arith.addi %add3A_556, %add3A_576 : i32
      %sub3A_578 = arith.constant 1 : i32
      %sub3A_579 = arith.subi %add3A_577, %sub3A_578 : i32
      %dma_start3A_580 = arith.constant 0 : i32
      %dma_start3A_581 = arith.constant 0 : i32
      %dma_start3A_582 = arith.constant 0 : i32
      %dma_start3A_583 = arith.constant 0 : i32
      %dma_start3A_584 = tpu.memref_slice %arg6[%dma_start3A_580, %dma_start3A_582, %dma_start3A_583] : memref<6x128x128xf32, #tpu.memory_space<vmem>> -> memref<1x128x128xf32, #tpu.memory_space<vmem>>
      %dma_start3A_585 = tpu.memref_squeeze %dma_start3A_584 : memref<1x128x128xf32, #tpu.memory_space<vmem>> -> memref<128x128xf32, #tpu.memory_space<vmem>>
      %dma_start3A_586 = arith.constant 0 : i32
      %dma_start3A_587 = tpu.memref_slice %arg5[%sub3A_579, %dma_start3A_586] : memref<50x128xi32, #tpu.memory_space<vmem>> -> memref<1x128xi32, #tpu.memory_space<vmem>>
      %dma_start3A_588 = tpu.memref_squeeze %dma_start3A_587 : memref<1x128xi32, #tpu.memory_space<vmem>> -> memref<128xi32, #tpu.memory_space<vmem>>
      %dma_start3A_589 = arith.constant 0 : i32
      %dma_start3A_590 = arith.constant 0 : i32
      %dma_start3A_591 = tpu.memref_slice %arg2[%dma_start3A_589, %dma_start3A_590] : memref<100000x128xf32, #tpu.memory_space<hbm>> -> memref<100000x128xf32, #tpu.memory_space<hbm>>
      %dma_start3A_592 = tpu.memref_slice %arg7[%dma_start3A_581] : memref<6x!tpu.dma_semaphore, #tpu.memory_space<semaphore_mem>> -> memref<1x!tpu.dma_semaphore, #tpu.memory_space<semaphore_mem>>
      %dma_start3A_593 = tpu.memref_squeeze %dma_start3A_592 : memref<1x!tpu.dma_semaphore, #tpu.memory_space<semaphore_mem>> -> memref<!tpu.dma_semaphore, #tpu.memory_space<semaphore_mem>>
      tpu.enqueue_indirect_dma source(%dma_start3A_591 : memref<100000x128xf32, #tpu.memory_space<hbm>>) target(%dma_start3A_585 : memref<128x128xf32, #tpu.memory_space<vmem>>) offsets(%dma_start3A_588 : memref<128xi32, #tpu.memory_space<vmem>>) semaphore(%dma_start3A_593 : memref<!tpu.dma_semaphore, #tpu.memory_space<semaphore_mem>>)
      %dma_wait3A_594 = arith.constant 1 : i32
      %dma_wait3A_595 = arith.constant 1 : i32
      %dma_wait3A_596 = arith.constant 0 : i32
      %dma_wait3A_597 = arith.constant 0 : i32
      %dma_wait3A_598 = tpu.memref_slice %arg6[%dma_wait3A_594, %dma_wait3A_596, %dma_wait3A_597] : memref<6x128x128xf32, #tpu.memory_space<vmem>> -> memref<1x128x128xf32, #tpu.memory_space<vmem>>
      %dma_wait3A_599 = tpu.memref_squeeze %dma_wait3A_598 : memref<1x128x128xf32, #tpu.memory_space<vmem>> -> memref<128x128xf32, #tpu.memory_space<vmem>>
      %dma_wait3A_600 = arith.constant 0 : i32
      %dma_wait3A_601 = tpu.memref_slice %arg5[%add3A_556, %dma_wait3A_600] : memref<50x128xi32, #tpu.memory_space<vmem>> -> memref<1x128xi32, #tpu.memory_space<vmem>>
      %dma_wait3A_602 = tpu.memref_squeeze %dma_wait3A_601 : memref<1x128xi32, #tpu.memory_space<vmem>> -> memref<128xi32, #tpu.memory_space<vmem>>
      %dma_wait3A_603 = arith.constant 0 : i32
      %dma_wait3A_604 = arith.constant 0 : i32
      %dma_wait3A_605 = tpu.memref_slice %arg2[%dma_wait3A_603, %dma_wait3A_604] : memref<100000x128xf32, #tpu.memory_space<hbm>> -> memref<100000x128xf32, #tpu.memory_space<hbm>>
      %dma_wait3A_606 = tpu.memref_slice %arg7[%dma_wait3A_595] : memref<6x!tpu.dma_semaphore, #tpu.memory_space<semaphore_mem>> -> memref<1x!tpu.dma_semaphore, #tpu.memory_space<semaphore_mem>>
      %dma_wait3A_607 = tpu.memref_squeeze %dma_wait3A_606 : memref<1x!tpu.dma_semaphore, #tpu.memory_space<semaphore_mem>> -> memref<!tpu.dma_semaphore, #tpu.memory_space<semaphore_mem>>
      tpu.wait_indirect_dma semaphore(%dma_wait3A_607 : memref<!tpu.dma_semaphore, #tpu.memory_space<semaphore_mem>>) src(%dma_wait3A_605 : memref<100000x128xf32, #tpu.memory_space<hbm>>) dst(%dma_wait3A_599 : memref<128x128xf32, #tpu.memory_space<vmem>>)
      %dma_start3A_608 = arith.constant 1 : i32
      %dma_start3A_609 = arith.constant 1 : i32
      %dma_start3A_610 = arith.constant 0 : i32
      %dma_start3A_611 = arith.constant 0 : i32
      %dma_start3A_612 = tpu.memref_slice %arg6[%dma_start3A_608, %dma_start3A_610, %dma_start3A_611] : memref<6x128x128xf32, #tpu.memory_space<vmem>> -> memref<1x128x128xf32, #tpu.memory_space<vmem>>
      %dma_start3A_613 = tpu.memref_squeeze %dma_start3A_612 : memref<1x128x128xf32, #tpu.memory_space<vmem>> -> memref<128x128xf32, #tpu.memory_space<vmem>>
      %dma_start3A_614 = arith.constant 0 : i32
      %dma_start3A_615 = tpu.memref_slice %arg4[%add3A_556, %mul3A_2, %dma_start3A_614] : memref<50x4096x128xf32, #tpu.memory_space<hbm>> -> memref<1x128x128xf32, #tpu.memory_space<hbm>>
      %dma_start3A_616 = tpu.memref_squeeze %dma_start3A_615 : memref<1x128x128xf32, #tpu.memory_space<hbm>> -> memref<128x128xf32, #tpu.memory_space<hbm>>
      %dma_start3A_617 = tpu.memref_slice %arg8[%dma_start3A_609] : memref<6x!tpu.dma_semaphore, #tpu.memory_space<semaphore_mem>> -> memref<1x!tpu.dma_semaphore, #tpu.memory_space<semaphore_mem>>
      %dma_start3A_618 = tpu.memref_squeeze %dma_start3A_617 : memref<1x!tpu.dma_semaphore, #tpu.memory_space<semaphore_mem>> -> memref<!tpu.dma_semaphore, #tpu.memory_space<semaphore_mem>>
      %dma_start3A_619 = arith.constant 0 : i32
      %dma_start3A_620 = tpu.memref_slice %arg4[%add3A_556, %mul3A_2, %dma_start3A_619] : memref<50x4096x128xf32, #tpu.memory_space<hbm>> -> memref<1x128x128xf32, #tpu.memory_space<hbm>>
      %dma_start3A_621 = tpu.memref_squeeze %dma_start3A_620 : memref<1x128x128xf32, #tpu.memory_space<hbm>> -> memref<128x128xf32, #tpu.memory_space<hbm>>
      %dma_start3A_622 = arith.constant 0 : i32
      %dma_start3A_623 = arith.constant 0 : i32
      %dma_start3A_624 = tpu.memref_slice %arg6[%dma_start3A_608, %dma_start3A_622, %dma_start3A_623] : memref<6x128x128xf32, #tpu.memory_space<vmem>> -> memref<1x128x128xf32, #tpu.memory_space<vmem>>
      %dma_start3A_625 = tpu.memref_squeeze %dma_start3A_624 : memref<1x128x128xf32, #tpu.memory_space<vmem>> -> memref<128x128xf32, #tpu.memory_space<vmem>>
      tpu.enqueue_dma source(%dma_start3A_625 : memref<128x128xf32, #tpu.memory_space<vmem>>) target(%dma_start3A_621 : memref<128x128xf32, #tpu.memory_space<hbm>>) target_semaphore(%dma_start3A_618 : memref<!tpu.dma_semaphore, #tpu.memory_space<semaphore_mem>>)
      %mul3A_626 = arith.constant 6 : i32
      %mul3A_627 = arith.muli %scan3A_550, %mul3A_626 : i32
      %add3A_628 = arith.constant 1 : i32
      %add3A_629 = arith.addi %add3A_628, %mul3A_627 : i32
      %add3A_630 = arith.constant 1 : i32
      %add3A_631 = arith.addi %add3A_629, %add3A_630 : i32
      %sub3A_632 = arith.constant 1 : i32
      %sub3A_633 = arith.subi %add3A_631, %sub3A_632 : i32
      %dma_wait3A_634 = arith.constant 1 : i32
      %dma_wait3A_635 = arith.constant 1 : i32
      %dma_wait3A_636 = arith.constant 0 : i32
      %dma_wait3A_637 = arith.constant 0 : i32
      %dma_wait3A_638 = tpu.memref_slice %arg6[%dma_wait3A_634, %dma_wait3A_636, %dma_wait3A_637] : memref<6x128x128xf32, #tpu.memory_space<vmem>> -> memref<1x128x128xf32, #tpu.memory_space<vmem>>
      %dma_wait3A_639 = tpu.memref_squeeze %dma_wait3A_638 : memref<1x128x128xf32, #tpu.memory_space<vmem>> -> memref<128x128xf32, #tpu.memory_space<vmem>>
      %dma_wait3A_640 = arith.constant 0 : i32
      %dma_wait3A_641 = tpu.memref_slice %arg4[%sub3A_633, %mul3A_2, %dma_wait3A_640] : memref<50x4096x128xf32, #tpu.memory_space<hbm>> -> memref<1x128x128xf32, #tpu.memory_space<hbm>>
      %dma_wait3A_642 = tpu.memref_squeeze %dma_wait3A_641 : memref<1x128x128xf32, #tpu.memory_space<hbm>> -> memref<128x128xf32, #tpu.memory_space<hbm>>
      %dma_wait3A_643 = tpu.memref_slice %arg8[%dma_wait3A_635] : memref<6x!tpu.dma_semaphore, #tpu.memory_space<semaphore_mem>> -> memref<1x!tpu.dma_semaphore, #tpu.memory_space<semaphore_mem>>
      %dma_wait3A_644 = tpu.memref_squeeze %dma_wait3A_643 : memref<1x!tpu.dma_semaphore, #tpu.memory_space<semaphore_mem>> -> memref<!tpu.dma_semaphore, #tpu.memory_space<semaphore_mem>>
      %dma_wait3A_645 = arith.constant 0 : i32
      %dma_wait3A_646 = tpu.memref_slice %arg4[%sub3A_633, %mul3A_2, %dma_wait3A_645] : memref<50x4096x128xf32, #tpu.memory_space<hbm>> -> memref<1x128x128xf32, #tpu.memory_space<hbm>>
      %dma_wait3A_647 = tpu.memref_squeeze %dma_wait3A_646 : memref<1x128x128xf32, #tpu.memory_space<hbm>> -> memref<128x128xf32, #tpu.memory_space<hbm>>
      %dma_wait3A_648 = arith.constant 0 : i32
      %dma_wait3A_649 = arith.constant 0 : i32
      %dma_wait3A_650 = tpu.memref_slice %arg6[%dma_wait3A_634, %dma_wait3A_648, %dma_wait3A_649] : memref<6x128x128xf32, #tpu.memory_space<vmem>> -> memref<1x128x128xf32, #tpu.memory_space<vmem>>
      %dma_wait3A_651 = tpu.memref_squeeze %dma_wait3A_650 : memref<1x128x128xf32, #tpu.memory_space<vmem>> -> memref<128x128xf32, #tpu.memory_space<vmem>>
      tpu.wait_dma2 semaphore(%dma_wait3A_644 : memref<!tpu.dma_semaphore, #tpu.memory_space<semaphore_mem>>) src(%dma_wait3A_651 : memref<128x128xf32, #tpu.memory_space<vmem>>) dst(%dma_wait3A_647 : memref<128x128xf32, #tpu.memory_space<hbm>>)
      %add3A_652 = arith.constant 6 : i32
      %add3A_653 = arith.addi %add3A_631, %add3A_652 : i32
      %sub3A_654 = arith.constant 1 : i32
      %sub3A_655 = arith.subi %add3A_653, %sub3A_654 : i32
      %dma_start3A_656 = arith.constant 1 : i32
      %dma_start3A_657 = arith.constant 1 : i32
      %dma_start3A_658 = arith.constant 0 : i32
      %dma_start3A_659 = arith.constant 0 : i32
      %dma_start3A_660 = tpu.memref_slice %arg6[%dma_start3A_656, %dma_start3A_658, %dma_start3A_659] : memref<6x128x128xf32, #tpu.memory_space<vmem>> -> memref<1x128x128xf32, #tpu.memory_space<vmem>>
      %dma_start3A_661 = tpu.memref_squeeze %dma_start3A_660 : memref<1x128x128xf32, #tpu.memory_space<vmem>> -> memref<128x128xf32, #tpu.memory_space<vmem>>
      %dma_start3A_662 = arith.constant 0 : i32
      %dma_start3A_663 = tpu.memref_slice %arg5[%sub3A_655, %dma_start3A_662] : memref<50x128xi32, #tpu.memory_space<vmem>> -> memref<1x128xi32, #tpu.memory_space<vmem>>
      %dma_start3A_664 = tpu.memref_squeeze %dma_start3A_663 : memref<1x128xi32, #tpu.memory_space<vmem>> -> memref<128xi32, #tpu.memory_space<vmem>>
      %dma_start3A_665 = arith.constant 0 : i32
      %dma_start3A_666 = arith.constant 0 : i32
      %dma_start3A_667 = tpu.memref_slice %arg2[%dma_start3A_665, %dma_start3A_666] : memref<100000x128xf32, #tpu.memory_space<hbm>> -> memref<100000x128xf32, #tpu.memory_space<hbm>>
      %dma_start3A_668 = tpu.memref_slice %arg7[%dma_start3A_657] : memref<6x!tpu.dma_semaphore, #tpu.memory_space<semaphore_mem>> -> memref<1x!tpu.dma_semaphore, #tpu.memory_space<semaphore_mem>>
      %dma_start3A_669 = tpu.memref_squeeze %dma_start3A_668 : memref<1x!tpu.dma_semaphore, #tpu.memory_space<semaphore_mem>> -> memref<!tpu.dma_semaphore, #tpu.memory_space<semaphore_mem>>
      tpu.enqueue_indirect_dma source(%dma_start3A_667 : memref<100000x128xf32, #tpu.memory_space<hbm>>) target(%dma_start3A_661 : memref<128x128xf32, #tpu.memory_space<vmem>>) offsets(%dma_start3A_664 : memref<128xi32, #tpu.memory_space<vmem>>) semaphore(%dma_start3A_669 : memref<!tpu.dma_semaphore, #tpu.memory_space<semaphore_mem>>)
      %dma_wait3A_670 = arith.constant 2 : i32
      %dma_wait3A_671 = arith.constant 2 : i32
      %dma_wait3A_672 = arith.constant 0 : i32
      %dma_wait3A_673 = arith.constant 0 : i32
      %dma_wait3A_674 = tpu.memref_slice %arg6[%dma_wait3A_670, %dma_wait3A_672, %dma_wait3A_673] : memref<6x128x128xf32, #tpu.memory_space<vmem>> -> memref<1x128x128xf32, #tpu.memory_space<vmem>>
      %dma_wait3A_675 = tpu.memref_squeeze %dma_wait3A_674 : memref<1x128x128xf32, #tpu.memory_space<vmem>> -> memref<128x128xf32, #tpu.memory_space<vmem>>
      %dma_wait3A_676 = arith.constant 0 : i32
      %dma_wait3A_677 = tpu.memref_slice %arg5[%add3A_631, %dma_wait3A_676] : memref<50x128xi32, #tpu.memory_space<vmem>> -> memref<1x128xi32, #tpu.memory_space<vmem>>
      %dma_wait3A_678 = tpu.memref_squeeze %dma_wait3A_677 : memref<1x128xi32, #tpu.memory_space<vmem>> -> memref<128xi32, #tpu.memory_space<vmem>>
      %dma_wait3A_679 = arith.constant 0 : i32
      %dma_wait3A_680 = arith.constant 0 : i32
      %dma_wait3A_681 = tpu.memref_slice %arg2[%dma_wait3A_679, %dma_wait3A_680] : memref<100000x128xf32, #tpu.memory_space<hbm>> -> memref<100000x128xf32, #tpu.memory_space<hbm>>
      %dma_wait3A_682 = tpu.memref_slice %arg7[%dma_wait3A_671] : memref<6x!tpu.dma_semaphore, #tpu.memory_space<semaphore_mem>> -> memref<1x!tpu.dma_semaphore, #tpu.memory_space<semaphore_mem>>
      %dma_wait3A_683 = tpu.memref_squeeze %dma_wait3A_682 : memref<1x!tpu.dma_semaphore, #tpu.memory_space<semaphore_mem>> -> memref<!tpu.dma_semaphore, #tpu.memory_space<semaphore_mem>>
      tpu.wait_indirect_dma semaphore(%dma_wait3A_683 : memref<!tpu.dma_semaphore, #tpu.memory_space<semaphore_mem>>) src(%dma_wait3A_681 : memref<100000x128xf32, #tpu.memory_space<hbm>>) dst(%dma_wait3A_675 : memref<128x128xf32, #tpu.memory_space<vmem>>)
      %dma_start3A_684 = arith.constant 2 : i32
      %dma_start3A_685 = arith.constant 2 : i32
      %dma_start3A_686 = arith.constant 0 : i32
      %dma_start3A_687 = arith.constant 0 : i32
      %dma_start3A_688 = tpu.memref_slice %arg6[%dma_start3A_684, %dma_start3A_686, %dma_start3A_687] : memref<6x128x128xf32, #tpu.memory_space<vmem>> -> memref<1x128x128xf32, #tpu.memory_space<vmem>>
      %dma_start3A_689 = tpu.memref_squeeze %dma_start3A_688 : memref<1x128x128xf32, #tpu.memory_space<vmem>> -> memref<128x128xf32, #tpu.memory_space<vmem>>
      %dma_start3A_690 = arith.constant 0 : i32
      %dma_start3A_691 = tpu.memref_slice %arg4[%add3A_631, %mul3A_2, %dma_start3A_690] : memref<50x4096x128xf32, #tpu.memory_space<hbm>> -> memref<1x128x128xf32, #tpu.memory_space<hbm>>
      %dma_start3A_692 = tpu.memref_squeeze %dma_start3A_691 : memref<1x128x128xf32, #tpu.memory_space<hbm>> -> memref<128x128xf32, #tpu.memory_space<hbm>>
      %dma_start3A_693 = tpu.memref_slice %arg8[%dma_start3A_685] : memref<6x!tpu.dma_semaphore, #tpu.memory_space<semaphore_mem>> -> memref<1x!tpu.dma_semaphore, #tpu.memory_space<semaphore_mem>>
      %dma_start3A_694 = tpu.memref_squeeze %dma_start3A_693 : memref<1x!tpu.dma_semaphore, #tpu.memory_space<semaphore_mem>> -> memref<!tpu.dma_semaphore, #tpu.memory_space<semaphore_mem>>
      %dma_start3A_695 = arith.constant 0 : i32
      %dma_start3A_696 = tpu.memref_slice %arg4[%add3A_631, %mul3A_2, %dma_start3A_695] : memref<50x4096x128xf32, #tpu.memory_space<hbm>> -> memref<1x128x128xf32, #tpu.memory_space<hbm>>
      %dma_start3A_697 = tpu.memref_squeeze %dma_start3A_696 : memref<1x128x128xf32, #tpu.memory_space<hbm>> -> memref<128x128xf32, #tpu.memory_space<hbm>>
      %dma_start3A_698 = arith.constant 0 : i32
      %dma_start3A_699 = arith.constant 0 : i32
      %dma_start3A_700 = tpu.memref_slice %arg6[%dma_start3A_684, %dma_start3A_698, %dma_start3A_699] : memref<6x128x128xf32, #tpu.memory_space<vmem>> -> memref<1x128x128xf32, #tpu.memory_space<vmem>>
      %dma_start3A_701 = tpu.memref_squeeze %dma_start3A_700 : memref<1x128x128xf32, #tpu.memory_space<vmem>> -> memref<128x128xf32, #tpu.memory_space<vmem>>
      tpu.enqueue_dma source(%dma_start3A_701 : memref<128x128xf32, #tpu.memory_space<vmem>>) target(%dma_start3A_697 : memref<128x128xf32, #tpu.memory_space<hbm>>) target_semaphore(%dma_start3A_694 : memref<!tpu.dma_semaphore, #tpu.memory_space<semaphore_mem>>)
      %mul3A_702 = arith.constant 6 : i32
      %mul3A_703 = arith.muli %scan3A_550, %mul3A_702 : i32
      %add3A_704 = arith.constant 1 : i32
      %add3A_705 = arith.addi %add3A_704, %mul3A_703 : i32
      %add3A_706 = arith.constant 2 : i32
      %add3A_707 = arith.addi %add3A_705, %add3A_706 : i32
      %sub3A_708 = arith.constant 1 : i32
      %sub3A_709 = arith.subi %add3A_707, %sub3A_708 : i32
      %dma_wait3A_710 = arith.constant 2 : i32
      %dma_wait3A_711 = arith.constant 2 : i32
      %dma_wait3A_712 = arith.constant 0 : i32
      %dma_wait3A_713 = arith.constant 0 : i32
      %dma_wait3A_714 = tpu.memref_slice %arg6[%dma_wait3A_710, %dma_wait3A_712, %dma_wait3A_713] : memref<6x128x128xf32, #tpu.memory_space<vmem>> -> memref<1x128x128xf32, #tpu.memory_space<vmem>>
      %dma_wait3A_715 = tpu.memref_squeeze %dma_wait3A_714 : memref<1x128x128xf32, #tpu.memory_space<vmem>> -> memref<128x128xf32, #tpu.memory_space<vmem>>
      %dma_wait3A_716 = arith.constant 0 : i32
      %dma_wait3A_717 = tpu.memref_slice %arg4[%sub3A_709, %mul3A_2, %dma_wait3A_716] : memref<50x4096x128xf32, #tpu.memory_space<hbm>> -> memref<1x128x128xf32, #tpu.memory_space<hbm>>
      %dma_wait3A_718 = tpu.memref_squeeze %dma_wait3A_717 : memref<1x128x128xf32, #tpu.memory_space<hbm>> -> memref<128x128xf32, #tpu.memory_space<hbm>>
      %dma_wait3A_719 = tpu.memref_slice %arg8[%dma_wait3A_711] : memref<6x!tpu.dma_semaphore, #tpu.memory_space<semaphore_mem>> -> memref<1x!tpu.dma_semaphore, #tpu.memory_space<semaphore_mem>>
      %dma_wait3A_720 = tpu.memref_squeeze %dma_wait3A_719 : memref<1x!tpu.dma_semaphore, #tpu.memory_space<semaphore_mem>> -> memref<!tpu.dma_semaphore, #tpu.memory_space<semaphore_mem>>
      %dma_wait3A_721 = arith.constant 0 : i32
      %dma_wait3A_722 = tpu.memref_slice %arg4[%sub3A_709, %mul3A_2, %dma_wait3A_721] : memref<50x4096x128xf32, #tpu.memory_space<hbm>> -> memref<1x128x128xf32, #tpu.memory_space<hbm>>
      %dma_wait3A_723 = tpu.memref_squeeze %dma_wait3A_722 : memref<1x128x128xf32, #tpu.memory_space<hbm>> -> memref<128x128xf32, #tpu.memory_space<hbm>>
      %dma_wait3A_724 = arith.constant 0 : i32
      %dma_wait3A_725 = arith.constant 0 : i32
      %dma_wait3A_726 = tpu.memref_slice %arg6[%dma_wait3A_710, %dma_wait3A_724, %dma_wait3A_725] : memref<6x128x128xf32, #tpu.memory_space<vmem>> -> memref<1x128x128xf32, #tpu.memory_space<vmem>>
      %dma_wait3A_727 = tpu.memref_squeeze %dma_wait3A_726 : memref<1x128x128xf32, #tpu.memory_space<vmem>> -> memref<128x128xf32, #tpu.memory_space<vmem>>
      tpu.wait_dma2 semaphore(%dma_wait3A_720 : memref<!tpu.dma_semaphore, #tpu.memory_space<semaphore_mem>>) src(%dma_wait3A_727 : memref<128x128xf32, #tpu.memory_space<vmem>>) dst(%dma_wait3A_723 : memref<128x128xf32, #tpu.memory_space<hbm>>)
      %add3A_728 = arith.constant 6 : i32
      %add3A_729 = arith.addi %add3A_707, %add3A_728 : i32
      %sub3A_730 = arith.constant 1 : i32
      %sub3A_731 = arith.subi %add3A_729, %sub3A_730 : i32
      %dma_start3A_732 = arith.constant 2 : i32
      %dma_start3A_733 = arith.constant 2 : i32
      %dma_start3A_734 = arith.constant 0 : i32
      %dma_start3A_735 = arith.constant 0 : i32
      %dma_start3A_736 = tpu.memref_slice %arg6[%dma_start3A_732, %dma_start3A_734, %dma_start3A_735] : memref<6x128x128xf32, #tpu.memory_space<vmem>> -> memref<1x128x128xf32, #tpu.memory_space<vmem>>
      %dma_start3A_737 = tpu.memref_squeeze %dma_start3A_736 : memref<1x128x128xf32, #tpu.memory_space<vmem>> -> memref<128x128xf32, #tpu.memory_space<vmem>>
      %dma_start3A_738 = arith.constant 0 : i32
      %dma_start3A_739 = tpu.memref_slice %arg5[%sub3A_731, %dma_start3A_738] : memref<50x128xi32, #tpu.memory_space<vmem>> -> memref<1x128xi32, #tpu.memory_space<vmem>>
      %dma_start3A_740 = tpu.memref_squeeze %dma_start3A_739 : memref<1x128xi32, #tpu.memory_space<vmem>> -> memref<128xi32, #tpu.memory_space<vmem>>
      %dma_start3A_741 = arith.constant 0 : i32
      %dma_start3A_742 = arith.constant 0 : i32
      %dma_start3A_743 = tpu.memref_slice %arg2[%dma_start3A_741, %dma_start3A_742] : memref<100000x128xf32, #tpu.memory_space<hbm>> -> memref<100000x128xf32, #tpu.memory_space<hbm>>
      %dma_start3A_744 = tpu.memref_slice %arg7[%dma_start3A_733] : memref<6x!tpu.dma_semaphore, #tpu.memory_space<semaphore_mem>> -> memref<1x!tpu.dma_semaphore, #tpu.memory_space<semaphore_mem>>
      %dma_start3A_745 = tpu.memref_squeeze %dma_start3A_744 : memref<1x!tpu.dma_semaphore, #tpu.memory_space<semaphore_mem>> -> memref<!tpu.dma_semaphore, #tpu.memory_space<semaphore_mem>>
      tpu.enqueue_indirect_dma source(%dma_start3A_743 : memref<100000x128xf32, #tpu.memory_space<hbm>>) target(%dma_start3A_737 : memref<128x128xf32, #tpu.memory_space<vmem>>) offsets(%dma_start3A_740 : memref<128xi32, #tpu.memory_space<vmem>>) semaphore(%dma_start3A_745 : memref<!tpu.dma_semaphore, #tpu.memory_space<semaphore_mem>>)
      %dma_wait3A_746 = arith.constant 3 : i32
      %dma_wait3A_747 = arith.constant 3 : i32
      %dma_wait3A_748 = arith.constant 0 : i32
      %dma_wait3A_749 = arith.constant 0 : i32
      %dma_wait3A_750 = tpu.memref_slice %arg6[%dma_wait3A_746, %dma_wait3A_748, %dma_wait3A_749] : memref<6x128x128xf32, #tpu.memory_space<vmem>> -> memref<1x128x128xf32, #tpu.memory_space<vmem>>
      %dma_wait3A_751 = tpu.memref_squeeze %dma_wait3A_750 : memref<1x128x128xf32, #tpu.memory_space<vmem>> -> memref<128x128xf32, #tpu.memory_space<vmem>>
      %dma_wait3A_752 = arith.constant 0 : i32
      %dma_wait3A_753 = tpu.memref_slice %arg5[%add3A_707, %dma_wait3A_752] : memref<50x128xi32, #tpu.memory_space<vmem>> -> memref<1x128xi32, #tpu.memory_space<vmem>>
      %dma_wait3A_754 = tpu.memref_squeeze %dma_wait3A_753 : memref<1x128xi32, #tpu.memory_space<vmem>> -> memref<128xi32, #tpu.memory_space<vmem>>
      %dma_wait3A_755 = arith.constant 0 : i32
      %dma_wait3A_756 = arith.constant 0 : i32
      %dma_wait3A_757 = tpu.memref_slice %arg2[%dma_wait3A_755, %dma_wait3A_756] : memref<100000x128xf32, #tpu.memory_space<hbm>> -> memref<100000x128xf32, #tpu.memory_space<hbm>>
      %dma_wait3A_758 = tpu.memref_slice %arg7[%dma_wait3A_747] : memref<6x!tpu.dma_semaphore, #tpu.memory_space<semaphore_mem>> -> memref<1x!tpu.dma_semaphore, #tpu.memory_space<semaphore_mem>>
      %dma_wait3A_759 = tpu.memref_squeeze %dma_wait3A_758 : memref<1x!tpu.dma_semaphore, #tpu.memory_space<semaphore_mem>> -> memref<!tpu.dma_semaphore, #tpu.memory_space<semaphore_mem>>
      tpu.wait_indirect_dma semaphore(%dma_wait3A_759 : memref<!tpu.dma_semaphore, #tpu.memory_space<semaphore_mem>>) src(%dma_wait3A_757 : memref<100000x128xf32, #tpu.memory_space<hbm>>) dst(%dma_wait3A_751 : memref<128x128xf32, #tpu.memory_space<vmem>>)
      %dma_start3A_760 = arith.constant 3 : i32
      %dma_start3A_761 = arith.constant 3 : i32
      %dma_start3A_762 = arith.constant 0 : i32
      %dma_start3A_763 = arith.constant 0 : i32
      %dma_start3A_764 = tpu.memref_slice %arg6[%dma_start3A_760, %dma_start3A_762, %dma_start3A_763] : memref<6x128x128xf32, #tpu.memory_space<vmem>> -> memref<1x128x128xf32, #tpu.memory_space<vmem>>
      %dma_start3A_765 = tpu.memref_squeeze %dma_start3A_764 : memref<1x128x128xf32, #tpu.memory_space<vmem>> -> memref<128x128xf32, #tpu.memory_space<vmem>>
      %dma_start3A_766 = arith.constant 0 : i32
      %dma_start3A_767 = tpu.memref_slice %arg4[%add3A_707, %mul3A_2, %dma_start3A_766] : memref<50x4096x128xf32, #tpu.memory_space<hbm>> -> memref<1x128x128xf32, #tpu.memory_space<hbm>>
      %dma_start3A_768 = tpu.memref_squeeze %dma_start3A_767 : memref<1x128x128xf32, #tpu.memory_space<hbm>> -> memref<128x128xf32, #tpu.memory_space<hbm>>
      %dma_start3A_769 = tpu.memref_slice %arg8[%dma_start3A_761] : memref<6x!tpu.dma_semaphore, #tpu.memory_space<semaphore_mem>> -> memref<1x!tpu.dma_semaphore, #tpu.memory_space<semaphore_mem>>
      %dma_start3A_770 = tpu.memref_squeeze %dma_start3A_769 : memref<1x!tpu.dma_semaphore, #tpu.memory_space<semaphore_mem>> -> memref<!tpu.dma_semaphore, #tpu.memory_space<semaphore_mem>>
      %dma_start3A_771 = arith.constant 0 : i32
      %dma_start3A_772 = tpu.memref_slice %arg4[%add3A_707, %mul3A_2, %dma_start3A_771] : memref<50x4096x128xf32, #tpu.memory_space<hbm>> -> memref<1x128x128xf32, #tpu.memory_space<hbm>>
      %dma_start3A_773 = tpu.memref_squeeze %dma_start3A_772 : memref<1x128x128xf32, #tpu.memory_space<hbm>> -> memref<128x128xf32, #tpu.memory_space<hbm>>
      %dma_start3A_774 = arith.constant 0 : i32
      %dma_start3A_775 = arith.constant 0 : i32
      %dma_start3A_776 = tpu.memref_slice %arg6[%dma_start3A_760, %dma_start3A_774, %dma_start3A_775] : memref<6x128x128xf32, #tpu.memory_space<vmem>> -> memref<1x128x128xf32, #tpu.memory_space<vmem>>
      %dma_start3A_777 = tpu.memref_squeeze %dma_start3A_776 : memref<1x128x128xf32, #tpu.memory_space<vmem>> -> memref<128x128xf32, #tpu.memory_space<vmem>>
      tpu.enqueue_dma source(%dma_start3A_777 : memref<128x128xf32, #tpu.memory_space<vmem>>) target(%dma_start3A_773 : memref<128x128xf32, #tpu.memory_space<hbm>>) target_semaphore(%dma_start3A_770 : memref<!tpu.dma_semaphore, #tpu.memory_space<semaphore_mem>>)
      %mul3A_778 = arith.constant 6 : i32
      %mul3A_779 = arith.muli %scan3A_550, %mul3A_778 : i32
      %add3A_780 = arith.constant 1 : i32
      %add3A_781 = arith.addi %add3A_780, %mul3A_779 : i32
      %add3A_782 = arith.constant 3 : i32
      %add3A_783 = arith.addi %add3A_781, %add3A_782 : i32
      %sub3A_784 = arith.constant 1 : i32
      %sub3A_785 = arith.subi %add3A_783, %sub3A_784 : i32
      %dma_wait3A_786 = arith.constant 3 : i32
      %dma_wait3A_787 = arith.constant 3 : i32
      %dma_wait3A_788 = arith.constant 0 : i32
      %dma_wait3A_789 = arith.constant 0 : i32
      %dma_wait3A_790 = tpu.memref_slice %arg6[%dma_wait3A_786, %dma_wait3A_788, %dma_wait3A_789] : memref<6x128x128xf32, #tpu.memory_space<vmem>> -> memref<1x128x128xf32, #tpu.memory_space<vmem>>
      %dma_wait3A_791 = tpu.memref_squeeze %dma_wait3A_790 : memref<1x128x128xf32, #tpu.memory_space<vmem>> -> memref<128x128xf32, #tpu.memory_space<vmem>>
      %dma_wait3A_792 = arith.constant 0 : i32
      %dma_wait3A_793 = tpu.memref_slice %arg4[%sub3A_785, %mul3A_2, %dma_wait3A_792] : memref<50x4096x128xf32, #tpu.memory_space<hbm>> -> memref<1x128x128xf32, #tpu.memory_space<hbm>>
      %dma_wait3A_794 = tpu.memref_squeeze %dma_wait3A_793 : memref<1x128x128xf32, #tpu.memory_space<hbm>> -> memref<128x128xf32, #tpu.memory_space<hbm>>
      %dma_wait3A_795 = tpu.memref_slice %arg8[%dma_wait3A_787] : memref<6x!tpu.dma_semaphore, #tpu.memory_space<semaphore_mem>> -> memref<1x!tpu.dma_semaphore, #tpu.memory_space<semaphore_mem>>
      %dma_wait3A_796 = tpu.memref_squeeze %dma_wait3A_795 : memref<1x!tpu.dma_semaphore, #tpu.memory_space<semaphore_mem>> -> memref<!tpu.dma_semaphore, #tpu.memory_space<semaphore_mem>>
      %dma_wait3A_797 = arith.constant 0 : i32
      %dma_wait3A_798 = tpu.memref_slice %arg4[%sub3A_785, %mul3A_2, %dma_wait3A_797] : memref<50x4096x128xf32, #tpu.memory_space<hbm>> -> memref<1x128x128xf32, #tpu.memory_space<hbm>>
      %dma_wait3A_799 = tpu.memref_squeeze %dma_wait3A_798 : memref<1x128x128xf32, #tpu.memory_space<hbm>> -> memref<128x128xf32, #tpu.memory_space<hbm>>
      %dma_wait3A_800 = arith.constant 0 : i32
      %dma_wait3A_801 = arith.constant 0 : i32
      %dma_wait3A_802 = tpu.memref_slice %arg6[%dma_wait3A_786, %dma_wait3A_800, %dma_wait3A_801] : memref<6x128x128xf32, #tpu.memory_space<vmem>> -> memref<1x128x128xf32, #tpu.memory_space<vmem>>
      %dma_wait3A_803 = tpu.memref_squeeze %dma_wait3A_802 : memref<1x128x128xf32, #tpu.memory_space<vmem>> -> memref<128x128xf32, #tpu.memory_space<vmem>>
      tpu.wait_dma2 semaphore(%dma_wait3A_796 : memref<!tpu.dma_semaphore, #tpu.memory_space<semaphore_mem>>) src(%dma_wait3A_803 : memref<128x128xf32, #tpu.memory_space<vmem>>) dst(%dma_wait3A_799 : memref<128x128xf32, #tpu.memory_space<hbm>>)
      %add3A_804 = arith.constant 6 : i32
      %add3A_805 = arith.addi %add3A_783, %add3A_804 : i32
      %sub3A_806 = arith.constant 1 : i32
      %sub3A_807 = arith.subi %add3A_805, %sub3A_806 : i32
      %dma_start3A_808 = arith.constant 3 : i32
      %dma_start3A_809 = arith.constant 3 : i32
      %dma_start3A_810 = arith.constant 0 : i32
      %dma_start3A_811 = arith.constant 0 : i32
      %dma_start3A_812 = tpu.memref_slice %arg6[%dma_start3A_808, %dma_start3A_810, %dma_start3A_811] : memref<6x128x128xf32, #tpu.memory_space<vmem>> -> memref<1x128x128xf32, #tpu.memory_space<vmem>>
      %dma_start3A_813 = tpu.memref_squeeze %dma_start3A_812 : memref<1x128x128xf32, #tpu.memory_space<vmem>> -> memref<128x128xf32, #tpu.memory_space<vmem>>
      %dma_start3A_814 = arith.constant 0 : i32
      %dma_start3A_815 = tpu.memref_slice %arg5[%sub3A_807, %dma_start3A_814] : memref<50x128xi32, #tpu.memory_space<vmem>> -> memref<1x128xi32, #tpu.memory_space<vmem>>
      %dma_start3A_816 = tpu.memref_squeeze %dma_start3A_815 : memref<1x128xi32, #tpu.memory_space<vmem>> -> memref<128xi32, #tpu.memory_space<vmem>>
      %dma_start3A_817 = arith.constant 0 : i32
      %dma_start3A_818 = arith.constant 0 : i32
      %dma_start3A_819 = tpu.memref_slice %arg2[%dma_start3A_817, %dma_start3A_818] : memref<100000x128xf32, #tpu.memory_space<hbm>> -> memref<100000x128xf32, #tpu.memory_space<hbm>>
      %dma_start3A_820 = tpu.memref_slice %arg7[%dma_start3A_809] : memref<6x!tpu.dma_semaphore, #tpu.memory_space<semaphore_mem>> -> memref<1x!tpu.dma_semaphore, #tpu.memory_space<semaphore_mem>>
      %dma_start3A_821 = tpu.memref_squeeze %dma_start3A_820 : memref<1x!tpu.dma_semaphore, #tpu.memory_space<semaphore_mem>> -> memref<!tpu.dma_semaphore, #tpu.memory_space<semaphore_mem>>
      tpu.enqueue_indirect_dma source(%dma_start3A_819 : memref<100000x128xf32, #tpu.memory_space<hbm>>) target(%dma_start3A_813 : memref<128x128xf32, #tpu.memory_space<vmem>>) offsets(%dma_start3A_816 : memref<128xi32, #tpu.memory_space<vmem>>) semaphore(%dma_start3A_821 : memref<!tpu.dma_semaphore, #tpu.memory_space<semaphore_mem>>)
      %dma_wait3A_822 = arith.constant 4 : i32
      %dma_wait3A_823 = arith.constant 4 : i32
      %dma_wait3A_824 = arith.constant 0 : i32
      %dma_wait3A_825 = arith.constant 0 : i32
      %dma_wait3A_826 = tpu.memref_slice %arg6[%dma_wait3A_822, %dma_wait3A_824, %dma_wait3A_825] : memref<6x128x128xf32, #tpu.memory_space<vmem>> -> memref<1x128x128xf32, #tpu.memory_space<vmem>>
      %dma_wait3A_827 = tpu.memref_squeeze %dma_wait3A_826 : memref<1x128x128xf32, #tpu.memory_space<vmem>> -> memref<128x128xf32, #tpu.memory_space<vmem>>
      %dma_wait3A_828 = arith.constant 0 : i32
      %dma_wait3A_829 = tpu.memref_slice %arg5[%add3A_783, %dma_wait3A_828] : memref<50x128xi32, #tpu.memory_space<vmem>> -> memref<1x128xi32, #tpu.memory_space<vmem>>
      %dma_wait3A_830 = tpu.memref_squeeze %dma_wait3A_829 : memref<1x128xi32, #tpu.memory_space<vmem>> -> memref<128xi32, #tpu.memory_space<vmem>>
      %dma_wait3A_831 = arith.constant 0 : i32
      %dma_wait3A_832 = arith.constant 0 : i32
      %dma_wait3A_833 = tpu.memref_slice %arg2[%dma_wait3A_831, %dma_wait3A_832] : memref<100000x128xf32, #tpu.memory_space<hbm>> -> memref<100000x128xf32, #tpu.memory_space<hbm>>
      %dma_wait3A_834 = tpu.memref_slice %arg7[%dma_wait3A_823] : memref<6x!tpu.dma_semaphore, #tpu.memory_space<semaphore_mem>> -> memref<1x!tpu.dma_semaphore, #tpu.memory_space<semaphore_mem>>
      %dma_wait3A_835 = tpu.memref_squeeze %dma_wait3A_834 : memref<1x!tpu.dma_semaphore, #tpu.memory_space<semaphore_mem>> -> memref<!tpu.dma_semaphore, #tpu.memory_space<semaphore_mem>>
      tpu.wait_indirect_dma semaphore(%dma_wait3A_835 : memref<!tpu.dma_semaphore, #tpu.memory_space<semaphore_mem>>) src(%dma_wait3A_833 : memref<100000x128xf32, #tpu.memory_space<hbm>>) dst(%dma_wait3A_827 : memref<128x128xf32, #tpu.memory_space<vmem>>)
      %dma_start3A_836 = arith.constant 4 : i32
      %dma_start3A_837 = arith.constant 4 : i32
      %dma_start3A_838 = arith.constant 0 : i32
      %dma_start3A_839 = arith.constant 0 : i32
      %dma_start3A_840 = tpu.memref_slice %arg6[%dma_start3A_836, %dma_start3A_838, %dma_start3A_839] : memref<6x128x128xf32, #tpu.memory_space<vmem>> -> memref<1x128x128xf32, #tpu.memory_space<vmem>>
      %dma_start3A_841 = tpu.memref_squeeze %dma_start3A_840 : memref<1x128x128xf32, #tpu.memory_space<vmem>> -> memref<128x128xf32, #tpu.memory_space<vmem>>
      %dma_start3A_842 = arith.constant 0 : i32
      %dma_start3A_843 = tpu.memref_slice %arg4[%add3A_783, %mul3A_2, %dma_start3A_842] : memref<50x4096x128xf32, #tpu.memory_space<hbm>> -> memref<1x128x128xf32, #tpu.memory_space<hbm>>
      %dma_start3A_844 = tpu.memref_squeeze %dma_start3A_843 : memref<1x128x128xf32, #tpu.memory_space<hbm>> -> memref<128x128xf32, #tpu.memory_space<hbm>>
      %dma_start3A_845 = tpu.memref_slice %arg8[%dma_start3A_837] : memref<6x!tpu.dma_semaphore, #tpu.memory_space<semaphore_mem>> -> memref<1x!tpu.dma_semaphore, #tpu.memory_space<semaphore_mem>>
      %dma_start3A_846 = tpu.memref_squeeze %dma_start3A_845 : memref<1x!tpu.dma_semaphore, #tpu.memory_space<semaphore_mem>> -> memref<!tpu.dma_semaphore, #tpu.memory_space<semaphore_mem>>
      %dma_start3A_847 = arith.constant 0 : i32
      %dma_start3A_848 = tpu.memref_slice %arg4[%add3A_783, %mul3A_2, %dma_start3A_847] : memref<50x4096x128xf32, #tpu.memory_space<hbm>> -> memref<1x128x128xf32, #tpu.memory_space<hbm>>
      %dma_start3A_849 = tpu.memref_squeeze %dma_start3A_848 : memref<1x128x128xf32, #tpu.memory_space<hbm>> -> memref<128x128xf32, #tpu.memory_space<hbm>>
      %dma_start3A_850 = arith.constant 0 : i32
      %dma_start3A_851 = arith.constant 0 : i32
      %dma_start3A_852 = tpu.memref_slice %arg6[%dma_start3A_836, %dma_start3A_850, %dma_start3A_851] : memref<6x128x128xf32, #tpu.memory_space<vmem>> -> memref<1x128x128xf32, #tpu.memory_space<vmem>>
      %dma_start3A_853 = tpu.memref_squeeze %dma_start3A_852 : memref<1x128x128xf32, #tpu.memory_space<vmem>> -> memref<128x128xf32, #tpu.memory_space<vmem>>
      tpu.enqueue_dma source(%dma_start3A_853 : memref<128x128xf32, #tpu.memory_space<vmem>>) target(%dma_start3A_849 : memref<128x128xf32, #tpu.memory_space<hbm>>) target_semaphore(%dma_start3A_846 : memref<!tpu.dma_semaphore, #tpu.memory_space<semaphore_mem>>)
      %mul3A_854 = arith.constant 6 : i32
      %mul3A_855 = arith.muli %scan3A_550, %mul3A_854 : i32
      %add3A_856 = arith.constant 1 : i32
      %add3A_857 = arith.addi %add3A_856, %mul3A_855 : i32
      %add3A_858 = arith.constant 4 : i32
      %add3A_859 = arith.addi %add3A_857, %add3A_858 : i32
      %sub3A_860 = arith.constant 1 : i32
      %sub3A_861 = arith.subi %add3A_859, %sub3A_860 : i32
      %dma_wait3A_862 = arith.constant 4 : i32
      %dma_wait3A_863 = arith.constant 4 : i32
      %dma_wait3A_864 = arith.constant 0 : i32
      %dma_wait3A_865 = arith.constant 0 : i32
      %dma_wait3A_866 = tpu.memref_slice %arg6[%dma_wait3A_862, %dma_wait3A_864, %dma_wait3A_865] : memref<6x128x128xf32, #tpu.memory_space<vmem>> -> memref<1x128x128xf32, #tpu.memory_space<vmem>>
      %dma_wait3A_867 = tpu.memref_squeeze %dma_wait3A_866 : memref<1x128x128xf32, #tpu.memory_space<vmem>> -> memref<128x128xf32, #tpu.memory_space<vmem>>
      %dma_wait3A_868 = arith.constant 0 : i32
      %dma_wait3A_869 = tpu.memref_slice %arg4[%sub3A_861, %mul3A_2, %dma_wait3A_868] : memref<50x4096x128xf32, #tpu.memory_space<hbm>> -> memref<1x128x128xf32, #tpu.memory_space<hbm>>
      %dma_wait3A_870 = tpu.memref_squeeze %dma_wait3A_869 : memref<1x128x128xf32, #tpu.memory_space<hbm>> -> memref<128x128xf32, #tpu.memory_space<hbm>>
      %dma_wait3A_871 = tpu.memref_slice %arg8[%dma_wait3A_863] : memref<6x!tpu.dma_semaphore, #tpu.memory_space<semaphore_mem>> -> memref<1x!tpu.dma_semaphore, #tpu.memory_space<semaphore_mem>>
      %dma_wait3A_872 = tpu.memref_squeeze %dma_wait3A_871 : memref<1x!tpu.dma_semaphore, #tpu.memory_space<semaphore_mem>> -> memref<!tpu.dma_semaphore, #tpu.memory_space<semaphore_mem>>
      %dma_wait3A_873 = arith.constant 0 : i32
      %dma_wait3A_874 = tpu.memref_slice %arg4[%sub3A_861, %mul3A_2, %dma_wait3A_873] : memref<50x4096x128xf32, #tpu.memory_space<hbm>> -> memref<1x128x128xf32, #tpu.memory_space<hbm>>
      %dma_wait3A_875 = tpu.memref_squeeze %dma_wait3A_874 : memref<1x128x128xf32, #tpu.memory_space<hbm>> -> memref<128x128xf32, #tpu.memory_space<hbm>>
      %dma_wait3A_876 = arith.constant 0 : i32
      %dma_wait3A_877 = arith.constant 0 : i32
      %dma_wait3A_878 = tpu.memref_slice %arg6[%dma_wait3A_862, %dma_wait3A_876, %dma_wait3A_877] : memref<6x128x128xf32, #tpu.memory_space<vmem>> -> memref<1x128x128xf32, #tpu.memory_space<vmem>>
      %dma_wait3A_879 = tpu.memref_squeeze %dma_wait3A_878 : memref<1x128x128xf32, #tpu.memory_space<vmem>> -> memref<128x128xf32, #tpu.memory_space<vmem>>
      tpu.wait_dma2 semaphore(%dma_wait3A_872 : memref<!tpu.dma_semaphore, #tpu.memory_space<semaphore_mem>>) src(%dma_wait3A_879 : memref<128x128xf32, #tpu.memory_space<vmem>>) dst(%dma_wait3A_875 : memref<128x128xf32, #tpu.memory_space<hbm>>)
      %add3A_880 = arith.constant 6 : i32
      %add3A_881 = arith.addi %add3A_859, %add3A_880 : i32
      %sub3A_882 = arith.constant 1 : i32
      %sub3A_883 = arith.subi %add3A_881, %sub3A_882 : i32
      %dma_start3A_884 = arith.constant 4 : i32
      %dma_start3A_885 = arith.constant 4 : i32
      %dma_start3A_886 = arith.constant 0 : i32
      %dma_start3A_887 = arith.constant 0 : i32
      %dma_start3A_888 = tpu.memref_slice %arg6[%dma_start3A_884, %dma_start3A_886, %dma_start3A_887] : memref<6x128x128xf32, #tpu.memory_space<vmem>> -> memref<1x128x128xf32, #tpu.memory_space<vmem>>
      %dma_start3A_889 = tpu.memref_squeeze %dma_start3A_888 : memref<1x128x128xf32, #tpu.memory_space<vmem>> -> memref<128x128xf32, #tpu.memory_space<vmem>>
      %dma_start3A_890 = arith.constant 0 : i32
      %dma_start3A_891 = tpu.memref_slice %arg5[%sub3A_883, %dma_start3A_890] : memref<50x128xi32, #tpu.memory_space<vmem>> -> memref<1x128xi32, #tpu.memory_space<vmem>>
      %dma_start3A_892 = tpu.memref_squeeze %dma_start3A_891 : memref<1x128xi32, #tpu.memory_space<vmem>> -> memref<128xi32, #tpu.memory_space<vmem>>
      %dma_start3A_893 = arith.constant 0 : i32
      %dma_start3A_894 = arith.constant 0 : i32
      %dma_start3A_895 = tpu.memref_slice %arg2[%dma_start3A_893, %dma_start3A_894] : memref<100000x128xf32, #tpu.memory_space<hbm>> -> memref<100000x128xf32, #tpu.memory_space<hbm>>
      %dma_start3A_896 = tpu.memref_slice %arg7[%dma_start3A_885] : memref<6x!tpu.dma_semaphore, #tpu.memory_space<semaphore_mem>> -> memref<1x!tpu.dma_semaphore, #tpu.memory_space<semaphore_mem>>
      %dma_start3A_897 = tpu.memref_squeeze %dma_start3A_896 : memref<1x!tpu.dma_semaphore, #tpu.memory_space<semaphore_mem>> -> memref<!tpu.dma_semaphore, #tpu.memory_space<semaphore_mem>>
      tpu.enqueue_indirect_dma source(%dma_start3A_895 : memref<100000x128xf32, #tpu.memory_space<hbm>>) target(%dma_start3A_889 : memref<128x128xf32, #tpu.memory_space<vmem>>) offsets(%dma_start3A_892 : memref<128xi32, #tpu.memory_space<vmem>>) semaphore(%dma_start3A_897 : memref<!tpu.dma_semaphore, #tpu.memory_space<semaphore_mem>>)
      %dma_wait3A_898 = arith.constant 5 : i32
      %dma_wait3A_899 = arith.constant 5 : i32
      %dma_wait3A_900 = arith.constant 0 : i32
      %dma_wait3A_901 = arith.constant 0 : i32
      %dma_wait3A_902 = tpu.memref_slice %arg6[%dma_wait3A_898, %dma_wait3A_900, %dma_wait3A_901] : memref<6x128x128xf32, #tpu.memory_space<vmem>> -> memref<1x128x128xf32, #tpu.memory_space<vmem>>
      %dma_wait3A_903 = tpu.memref_squeeze %dma_wait3A_902 : memref<1x128x128xf32, #tpu.memory_space<vmem>> -> memref<128x128xf32, #tpu.memory_space<vmem>>
      %dma_wait3A_904 = arith.constant 0 : i32
      %dma_wait3A_905 = tpu.memref_slice %arg5[%add3A_859, %dma_wait3A_904] : memref<50x128xi32, #tpu.memory_space<vmem>> -> memref<1x128xi32, #tpu.memory_space<vmem>>
      %dma_wait3A_906 = tpu.memref_squeeze %dma_wait3A_905 : memref<1x128xi32, #tpu.memory_space<vmem>> -> memref<128xi32, #tpu.memory_space<vmem>>
      %dma_wait3A_907 = arith.constant 0 : i32
      %dma_wait3A_908 = arith.constant 0 : i32
      %dma_wait3A_909 = tpu.memref_slice %arg2[%dma_wait3A_907, %dma_wait3A_908] : memref<100000x128xf32, #tpu.memory_space<hbm>> -> memref<100000x128xf32, #tpu.memory_space<hbm>>
      %dma_wait3A_910 = tpu.memref_slice %arg7[%dma_wait3A_899] : memref<6x!tpu.dma_semaphore, #tpu.memory_space<semaphore_mem>> -> memref<1x!tpu.dma_semaphore, #tpu.memory_space<semaphore_mem>>
      %dma_wait3A_911 = tpu.memref_squeeze %dma_wait3A_910 : memref<1x!tpu.dma_semaphore, #tpu.memory_space<semaphore_mem>> -> memref<!tpu.dma_semaphore, #tpu.memory_space<semaphore_mem>>
      tpu.wait_indirect_dma semaphore(%dma_wait3A_911 : memref<!tpu.dma_semaphore, #tpu.memory_space<semaphore_mem>>) src(%dma_wait3A_909 : memref<100000x128xf32, #tpu.memory_space<hbm>>) dst(%dma_wait3A_903 : memref<128x128xf32, #tpu.memory_space<vmem>>)
      %dma_start3A_912 = arith.constant 5 : i32
      %dma_start3A_913 = arith.constant 5 : i32
      %dma_start3A_914 = arith.constant 0 : i32
      %dma_start3A_915 = arith.constant 0 : i32
      %dma_start3A_916 = tpu.memref_slice %arg6[%dma_start3A_912, %dma_start3A_914, %dma_start3A_915] : memref<6x128x128xf32, #tpu.memory_space<vmem>> -> memref<1x128x128xf32, #tpu.memory_space<vmem>>
      %dma_start3A_917 = tpu.memref_squeeze %dma_start3A_916 : memref<1x128x128xf32, #tpu.memory_space<vmem>> -> memref<128x128xf32, #tpu.memory_space<vmem>>
      %dma_start3A_918 = arith.constant 0 : i32
      %dma_start3A_919 = tpu.memref_slice %arg4[%add3A_859, %mul3A_2, %dma_start3A_918] : memref<50x4096x128xf32, #tpu.memory_space<hbm>> -> memref<1x128x128xf32, #tpu.memory_space<hbm>>
      %dma_start3A_920 = tpu.memref_squeeze %dma_start3A_919 : memref<1x128x128xf32, #tpu.memory_space<hbm>> -> memref<128x128xf32, #tpu.memory_space<hbm>>
      %dma_start3A_921 = tpu.memref_slice %arg8[%dma_start3A_913] : memref<6x!tpu.dma_semaphore, #tpu.memory_space<semaphore_mem>> -> memref<1x!tpu.dma_semaphore, #tpu.memory_space<semaphore_mem>>
      %dma_start3A_922 = tpu.memref_squeeze %dma_start3A_921 : memref<1x!tpu.dma_semaphore, #tpu.memory_space<semaphore_mem>> -> memref<!tpu.dma_semaphore, #tpu.memory_space<semaphore_mem>>
      %dma_start3A_923 = arith.constant 0 : i32
      %dma_start3A_924 = tpu.memref_slice %arg4[%add3A_859, %mul3A_2, %dma_start3A_923] : memref<50x4096x128xf32, #tpu.memory_space<hbm>> -> memref<1x128x128xf32, #tpu.memory_space<hbm>>
      %dma_start3A_925 = tpu.memref_squeeze %dma_start3A_924 : memref<1x128x128xf32, #tpu.memory_space<hbm>> -> memref<128x128xf32, #tpu.memory_space<hbm>>
      %dma_start3A_926 = arith.constant 0 : i32
      %dma_start3A_927 = arith.constant 0 : i32
      %dma_start3A_928 = tpu.memref_slice %arg6[%dma_start3A_912, %dma_start3A_926, %dma_start3A_927] : memref<6x128x128xf32, #tpu.memory_space<vmem>> -> memref<1x128x128xf32, #tpu.memory_space<vmem>>
      %dma_start3A_929 = tpu.memref_squeeze %dma_start3A_928 : memref<1x128x128xf32, #tpu.memory_space<vmem>> -> memref<128x128xf32, #tpu.memory_space<vmem>>
      tpu.enqueue_dma source(%dma_start3A_929 : memref<128x128xf32, #tpu.memory_space<vmem>>) target(%dma_start3A_925 : memref<128x128xf32, #tpu.memory_space<hbm>>) target_semaphore(%dma_start3A_922 : memref<!tpu.dma_semaphore, #tpu.memory_space<semaphore_mem>>)
      %mul3A_930 = arith.constant 6 : i32
      %mul3A_931 = arith.muli %scan3A_550, %mul3A_930 : i32
      %add3A_932 = arith.constant 1 : i32
      %add3A_933 = arith.addi %add3A_932, %mul3A_931 : i32
      %add3A_934 = arith.constant 5 : i32
      %add3A_935 = arith.addi %add3A_933, %add3A_934 : i32
      %sub3A_936 = arith.constant 1 : i32
      %sub3A_937 = arith.subi %add3A_935, %sub3A_936 : i32
      %dma_wait3A_938 = arith.constant 5 : i32
      %dma_wait3A_939 = arith.constant 5 : i32
      %dma_wait3A_940 = arith.constant 0 : i32
      %dma_wait3A_941 = arith.constant 0 : i32
      %dma_wait3A_942 = tpu.memref_slice %arg6[%dma_wait3A_938, %dma_wait3A_940, %dma_wait3A_941] : memref<6x128x128xf32, #tpu.memory_space<vmem>> -> memref<1x128x128xf32, #tpu.memory_space<vmem>>
      %dma_wait3A_943 = tpu.memref_squeeze %dma_wait3A_942 : memref<1x128x128xf32, #tpu.memory_space<vmem>> -> memref<128x128xf32, #tpu.memory_space<vmem>>
      %dma_wait3A_944 = arith.constant 0 : i32
      %dma_wait3A_945 = tpu.memref_slice %arg4[%sub3A_937, %mul3A_2, %dma_wait3A_944] : memref<50x4096x128xf32, #tpu.memory_space<hbm>> -> memref<1x128x128xf32, #tpu.memory_space<hbm>>
      %dma_wait3A_946 = tpu.memref_squeeze %dma_wait3A_945 : memref<1x128x128xf32, #tpu.memory_space<hbm>> -> memref<128x128xf32, #tpu.memory_space<hbm>>
      %dma_wait3A_947 = tpu.memref_slice %arg8[%dma_wait3A_939] : memref<6x!tpu.dma_semaphore, #tpu.memory_space<semaphore_mem>> -> memref<1x!tpu.dma_semaphore, #tpu.memory_space<semaphore_mem>>
      %dma_wait3A_948 = tpu.memref_squeeze %dma_wait3A_947 : memref<1x!tpu.dma_semaphore, #tpu.memory_space<semaphore_mem>> -> memref<!tpu.dma_semaphore, #tpu.memory_space<semaphore_mem>>
      %dma_wait3A_949 = arith.constant 0 : i32
      %dma_wait3A_950 = tpu.memref_slice %arg4[%sub3A_937, %mul3A_2, %dma_wait3A_949] : memref<50x4096x128xf32, #tpu.memory_space<hbm>> -> memref<1x128x128xf32, #tpu.memory_space<hbm>>
      %dma_wait3A_951 = tpu.memref_squeeze %dma_wait3A_950 : memref<1x128x128xf32, #tpu.memory_space<hbm>> -> memref<128x128xf32, #tpu.memory_space<hbm>>
      %dma_wait3A_952 = arith.constant 0 : i32
      %dma_wait3A_953 = arith.constant 0 : i32
      %dma_wait3A_954 = tpu.memref_slice %arg6[%dma_wait3A_938, %dma_wait3A_952, %dma_wait3A_953] : memref<6x128x128xf32, #tpu.memory_space<vmem>> -> memref<1x128x128xf32, #tpu.memory_space<vmem>>
      %dma_wait3A_955 = tpu.memref_squeeze %dma_wait3A_954 : memref<1x128x128xf32, #tpu.memory_space<vmem>> -> memref<128x128xf32, #tpu.memory_space<vmem>>
      tpu.wait_dma2 semaphore(%dma_wait3A_948 : memref<!tpu.dma_semaphore, #tpu.memory_space<semaphore_mem>>) src(%dma_wait3A_955 : memref<128x128xf32, #tpu.memory_space<vmem>>) dst(%dma_wait3A_951 : memref<128x128xf32, #tpu.memory_space<hbm>>)
      %add3A_956 = arith.constant 6 : i32
      %add3A_957 = arith.addi %add3A_935, %add3A_956 : i32
      %sub3A_958 = arith.constant 1 : i32
      %sub3A_959 = arith.subi %add3A_957, %sub3A_958 : i32
      %dma_start3A_960 = arith.constant 5 : i32
      %dma_start3A_961 = arith.constant 5 : i32
      %dma_start3A_962 = arith.constant 0 : i32
      %dma_start3A_963 = arith.constant 0 : i32
      %dma_start3A_964 = tpu.memref_slice %arg6[%dma_start3A_960, %dma_start3A_962, %dma_start3A_963] : memref<6x128x128xf32, #tpu.memory_space<vmem>> -> memref<1x128x128xf32, #tpu.memory_space<vmem>>
      %dma_start3A_965 = tpu.memref_squeeze %dma_start3A_964 : memref<1x128x128xf32, #tpu.memory_space<vmem>> -> memref<128x128xf32, #tpu.memory_space<vmem>>
      %dma_start3A_966 = arith.constant 0 : i32
      %dma_start3A_967 = tpu.memref_slice %arg5[%sub3A_959, %dma_start3A_966] : memref<50x128xi32, #tpu.memory_space<vmem>> -> memref<1x128xi32, #tpu.memory_space<vmem>>
      %dma_start3A_968 = tpu.memref_squeeze %dma_start3A_967 : memref<1x128xi32, #tpu.memory_space<vmem>> -> memref<128xi32, #tpu.memory_space<vmem>>
      %dma_start3A_969 = arith.constant 0 : i32
      %dma_start3A_970 = arith.constant 0 : i32
      %dma_start3A_971 = tpu.memref_slice %arg2[%dma_start3A_969, %dma_start3A_970] : memref<100000x128xf32, #tpu.memory_space<hbm>> -> memref<100000x128xf32, #tpu.memory_space<hbm>>
      %dma_start3A_972 = tpu.memref_slice %arg7[%dma_start3A_961] : memref<6x!tpu.dma_semaphore, #tpu.memory_space<semaphore_mem>> -> memref<1x!tpu.dma_semaphore, #tpu.memory_space<semaphore_mem>>
      %dma_start3A_973 = tpu.memref_squeeze %dma_start3A_972 : memref<1x!tpu.dma_semaphore, #tpu.memory_space<semaphore_mem>> -> memref<!tpu.dma_semaphore, #tpu.memory_space<semaphore_mem>>
      tpu.enqueue_indirect_dma source(%dma_start3A_971 : memref<100000x128xf32, #tpu.memory_space<hbm>>) target(%dma_start3A_965 : memref<128x128xf32, #tpu.memory_space<vmem>>) offsets(%dma_start3A_968 : memref<128xi32, #tpu.memory_space<vmem>>) semaphore(%dma_start3A_973 : memref<!tpu.dma_semaphore, #tpu.memory_space<semaphore_mem>>)
      %dma_wait3A_974 = arith.constant 0 : i32
      %dma_wait3A_975 = arith.constant 0 : i32
      %dma_wait3A_976 = arith.constant 0 : i32
      %dma_wait3A_977 = arith.constant 0 : i32
      %dma_wait3A_978 = tpu.memref_slice %arg6[%dma_wait3A_974, %dma_wait3A_976, %dma_wait3A_977] : memref<6x128x128xf32, #tpu.memory_space<vmem>> -> memref<1x128x128xf32, #tpu.memory_space<vmem>>
      %dma_wait3A_979 = tpu.memref_squeeze %dma_wait3A_978 : memref<1x128x128xf32, #tpu.memory_space<vmem>> -> memref<128x128xf32, #tpu.memory_space<vmem>>
      %dma_wait3A_980 = arith.constant 0 : i32
      %dma_wait3A_981 = tpu.memref_slice %arg5[%add3A_935, %dma_wait3A_980] : memref<50x128xi32, #tpu.memory_space<vmem>> -> memref<1x128xi32, #tpu.memory_space<vmem>>
      %dma_wait3A_982 = tpu.memref_squeeze %dma_wait3A_981 : memref<1x128xi32, #tpu.memory_space<vmem>> -> memref<128xi32, #tpu.memory_space<vmem>>
      %dma_wait3A_983 = arith.constant 0 : i32
      %dma_wait3A_984 = arith.constant 0 : i32
      %dma_wait3A_985 = tpu.memref_slice %arg2[%dma_wait3A_983, %dma_wait3A_984] : memref<100000x128xf32, #tpu.memory_space<hbm>> -> memref<100000x128xf32, #tpu.memory_space<hbm>>
      %dma_wait3A_986 = tpu.memref_slice %arg7[%dma_wait3A_975] : memref<6x!tpu.dma_semaphore, #tpu.memory_space<semaphore_mem>> -> memref<1x!tpu.dma_semaphore, #tpu.memory_space<semaphore_mem>>
      %dma_wait3A_987 = tpu.memref_squeeze %dma_wait3A_986 : memref<1x!tpu.dma_semaphore, #tpu.memory_space<semaphore_mem>> -> memref<!tpu.dma_semaphore, #tpu.memory_space<semaphore_mem>>
      tpu.wait_indirect_dma semaphore(%dma_wait3A_987 : memref<!tpu.dma_semaphore, #tpu.memory_space<semaphore_mem>>) src(%dma_wait3A_985 : memref<100000x128xf32, #tpu.memory_space<hbm>>) dst(%dma_wait3A_979 : memref<128x128xf32, #tpu.memory_space<vmem>>)
      %dma_start3A_988 = arith.constant 0 : i32
      %dma_start3A_989 = arith.constant 0 : i32
      %dma_start3A_990 = arith.constant 0 : i32
      %dma_start3A_991 = arith.constant 0 : i32
      %dma_start3A_992 = tpu.memref_slice %arg6[%dma_start3A_988, %dma_start3A_990, %dma_start3A_991] : memref<6x128x128xf32, #tpu.memory_space<vmem>> -> memref<1x128x128xf32, #tpu.memory_space<vmem>>
      %dma_start3A_993 = tpu.memref_squeeze %dma_start3A_992 : memref<1x128x128xf32, #tpu.memory_space<vmem>> -> memref<128x128xf32, #tpu.memory_space<vmem>>
      %dma_start3A_994 = arith.constant 0 : i32
      %dma_start3A_995 = tpu.memref_slice %arg4[%add3A_935, %mul3A_2, %dma_start3A_994] : memref<50x4096x128xf32, #tpu.memory_space<hbm>> -> memref<1x128x128xf32, #tpu.memory_space<hbm>>
      %dma_start3A_996 = tpu.memref_squeeze %dma_start3A_995 : memref<1x128x128xf32, #tpu.memory_space<hbm>> -> memref<128x128xf32, #tpu.memory_space<hbm>>
      %dma_start3A_997 = tpu.memref_slice %arg8[%dma_start3A_989] : memref<6x!tpu.dma_semaphore, #tpu.memory_space<semaphore_mem>> -> memref<1x!tpu.dma_semaphore, #tpu.memory_space<semaphore_mem>>
      %dma_start3A_998 = tpu.memref_squeeze %dma_start3A_997 : memref<1x!tpu.dma_semaphore, #tpu.memory_space<semaphore_mem>> -> memref<!tpu.dma_semaphore, #tpu.memory_space<semaphore_mem>>
      %dma_start3A_999 = arith.constant 0 : i32
      %dma_start3A_1000 = tpu.memref_slice %arg4[%add3A_935, %mul3A_2, %dma_start3A_999] : memref<50x4096x128xf32, #tpu.memory_space<hbm>> -> memref<1x128x128xf32, #tpu.memory_space<hbm>>
      %dma_start3A_1001 = tpu.memref_squeeze %dma_start3A_1000 : memref<1x128x128xf32, #tpu.memory_space<hbm>> -> memref<128x128xf32, #tpu.memory_space<hbm>>
      %dma_start3A_1002 = arith.constant 0 : i32
      %dma_start3A_1003 = arith.constant 0 : i32
      %dma_start3A_1004 = tpu.memref_slice %arg6[%dma_start3A_988, %dma_start3A_1002, %dma_start3A_1003] : memref<6x128x128xf32, #tpu.memory_space<vmem>> -> memref<1x128x128xf32, #tpu.memory_space<vmem>>
      %dma_start3A_1005 = tpu.memref_squeeze %dma_start3A_1004 : memref<1x128x128xf32, #tpu.memory_space<vmem>> -> memref<128x128xf32, #tpu.memory_space<vmem>>
      tpu.enqueue_dma source(%dma_start3A_1005 : memref<128x128xf32, #tpu.memory_space<vmem>>) target(%dma_start3A_1001 : memref<128x128xf32, #tpu.memory_space<hbm>>) target_semaphore(%dma_start3A_998 : memref<!tpu.dma_semaphore, #tpu.memory_space<semaphore_mem>>)
    }
    %scan3A_129 = arith.constant 7 : i32
    %dma_wait3A_130 = arith.constant 0 : i32
    %dma_wait3A_131 = arith.constant 42 : i32
    %dma_wait3A_132 = arith.constant 0 : i32
    %dma_wait3A_133 = arith.constant 0 : i32
    %dma_wait3A_134 = arith.constant 0 : i32
    %dma_wait3A_135 = tpu.memref_slice %arg6[%dma_wait3A_130, %dma_wait3A_133, %dma_wait3A_134] : memref<6x128x128xf32, #tpu.memory_space<vmem>> -> memref<1x128x128xf32, #tpu.memory_space<vmem>>
    %dma_wait3A_136 = tpu.memref_squeeze %dma_wait3A_135 : memref<1x128x128xf32, #tpu.memory_space<vmem>> -> memref<128x128xf32, #tpu.memory_space<vmem>>
    %dma_wait3A_137 = arith.constant 0 : i32
    %dma_wait3A_138 = tpu.memref_slice %arg4[%dma_wait3A_131, %mul3A_2, %dma_wait3A_137] : memref<50x4096x128xf32, #tpu.memory_space<hbm>> -> memref<1x128x128xf32, #tpu.memory_space<hbm>>
    %dma_wait3A_139 = tpu.memref_squeeze %dma_wait3A_138 : memref<1x128x128xf32, #tpu.memory_space<hbm>> -> memref<128x128xf32, #tpu.memory_space<hbm>>
    %dma_wait3A_140 = tpu.memref_slice %arg8[%dma_wait3A_132] : memref<6x!tpu.dma_semaphore, #tpu.memory_space<semaphore_mem>> -> memref<1x!tpu.dma_semaphore, #tpu.memory_space<semaphore_mem>>
    %dma_wait3A_141 = tpu.memref_squeeze %dma_wait3A_140 : memref<1x!tpu.dma_semaphore, #tpu.memory_space<semaphore_mem>> -> memref<!tpu.dma_semaphore, #tpu.memory_space<semaphore_mem>>
    %dma_wait3A_142 = arith.constant 0 : i32
    %dma_wait3A_143 = tpu.memref_slice %arg4[%dma_wait3A_131, %mul3A_2, %dma_wait3A_142] : memref<50x4096x128xf32, #tpu.memory_space<hbm>> -> memref<1x128x128xf32, #tpu.memory_space<hbm>>
    %dma_wait3A_144 = tpu.memref_squeeze %dma_wait3A_143 : memref<1x128x128xf32, #tpu.memory_space<hbm>> -> memref<128x128xf32, #tpu.memory_space<hbm>>
    %dma_wait3A_145 = arith.constant 0 : i32
    %dma_wait3A_146 = arith.constant 0 : i32
    %dma_wait3A_147 = tpu.memref_slice %arg6[%dma_wait3A_130, %dma_wait3A_145, %dma_wait3A_146] : memref<6x128x128xf32, #tpu.memory_space<vmem>> -> memref<1x128x128xf32, #tpu.memory_space<vmem>>
    %dma_wait3A_148 = tpu.memref_squeeze %dma_wait3A_147 : memref<1x128x128xf32, #tpu.memory_space<vmem>> -> memref<128x128xf32, #tpu.memory_space<vmem>>
    tpu.wait_dma2 semaphore(%dma_wait3A_141 : memref<!tpu.dma_semaphore, #tpu.memory_space<semaphore_mem>>) src(%dma_wait3A_148 : memref<128x128xf32, #tpu.memory_space<vmem>>) dst(%dma_wait3A_144 : memref<128x128xf32, #tpu.memory_space<hbm>>)
    %dma_start3A_149 = arith.constant 48 : i32
    %dma_start3A_150 = arith.constant 0 : i32
    %dma_start3A_151 = arith.constant 0 : i32
    %dma_start3A_152 = arith.constant 0 : i32
    %dma_start3A_153 = arith.constant 0 : i32
    %dma_start3A_154 = tpu.memref_slice %arg6[%dma_start3A_150, %dma_start3A_152, %dma_start3A_153] : memref<6x128x128xf32, #tpu.memory_space<vmem>> -> memref<1x128x128xf32, #tpu.memory_space<vmem>>
    %dma_start3A_155 = tpu.memref_squeeze %dma_start3A_154 : memref<1x128x128xf32, #tpu.memory_space<vmem>> -> memref<128x128xf32, #tpu.memory_space<vmem>>
    %dma_start3A_156 = arith.constant 0 : i32
    %dma_start3A_157 = tpu.memref_slice %arg5[%dma_start3A_149, %dma_start3A_156] : memref<50x128xi32, #tpu.memory_space<vmem>> -> memref<1x128xi32, #tpu.memory_space<vmem>>
    %dma_start3A_158 = tpu.memref_squeeze %dma_start3A_157 : memref<1x128xi32, #tpu.memory_space<vmem>> -> memref<128xi32, #tpu.memory_space<vmem>>
    %dma_start3A_159 = arith.constant 0 : i32
    %dma_start3A_160 = arith.constant 0 : i32
    %dma_start3A_161 = tpu.memref_slice %arg2[%dma_start3A_159, %dma_start3A_160] : memref<100000x128xf32, #tpu.memory_space<hbm>> -> memref<100000x128xf32, #tpu.memory_space<hbm>>
    %dma_start3A_162 = tpu.memref_slice %arg7[%dma_start3A_151] : memref<6x!tpu.dma_semaphore, #tpu.memory_space<semaphore_mem>> -> memref<1x!tpu.dma_semaphore, #tpu.memory_space<semaphore_mem>>
    %dma_start3A_163 = tpu.memref_squeeze %dma_start3A_162 : memref<1x!tpu.dma_semaphore, #tpu.memory_space<semaphore_mem>> -> memref<!tpu.dma_semaphore, #tpu.memory_space<semaphore_mem>>
    tpu.enqueue_indirect_dma source(%dma_start3A_161 : memref<100000x128xf32, #tpu.memory_space<hbm>>) target(%dma_start3A_155 : memref<128x128xf32, #tpu.memory_space<vmem>>) offsets(%dma_start3A_158 : memref<128xi32, #tpu.memory_space<vmem>>) semaphore(%dma_start3A_163 : memref<!tpu.dma_semaphore, #tpu.memory_space<semaphore_mem>>)
    %dma_wait3A_164 = arith.constant 43 : i32
    %dma_wait3A_165 = arith.constant 1 : i32
    %dma_wait3A_166 = arith.constant 1 : i32
    %dma_wait3A_167 = arith.constant 0 : i32
    %dma_wait3A_168 = arith.constant 0 : i32
    %dma_wait3A_169 = tpu.memref_slice %arg6[%dma_wait3A_165, %dma_wait3A_167, %dma_wait3A_168] : memref<6x128x128xf32, #tpu.memory_space<vmem>> -> memref<1x128x128xf32, #tpu.memory_space<vmem>>
    %dma_wait3A_170 = tpu.memref_squeeze %dma_wait3A_169 : memref<1x128x128xf32, #tpu.memory_space<vmem>> -> memref<128x128xf32, #tpu.memory_space<vmem>>
    %dma_wait3A_171 = arith.constant 0 : i32
    %dma_wait3A_172 = tpu.memref_slice %arg5[%dma_wait3A_164, %dma_wait3A_171] : memref<50x128xi32, #tpu.memory_space<vmem>> -> memref<1x128xi32, #tpu.memory_space<vmem>>
    %dma_wait3A_173 = tpu.memref_squeeze %dma_wait3A_172 : memref<1x128xi32, #tpu.memory_space<vmem>> -> memref<128xi32, #tpu.memory_space<vmem>>
    %dma_wait3A_174 = arith.constant 0 : i32
    %dma_wait3A_175 = arith.constant 0 : i32
    %dma_wait3A_176 = tpu.memref_slice %arg2[%dma_wait3A_174, %dma_wait3A_175] : memref<100000x128xf32, #tpu.memory_space<hbm>> -> memref<100000x128xf32, #tpu.memory_space<hbm>>
    %dma_wait3A_177 = tpu.memref_slice %arg7[%dma_wait3A_166] : memref<6x!tpu.dma_semaphore, #tpu.memory_space<semaphore_mem>> -> memref<1x!tpu.dma_semaphore, #tpu.memory_space<semaphore_mem>>
    %dma_wait3A_178 = tpu.memref_squeeze %dma_wait3A_177 : memref<1x!tpu.dma_semaphore, #tpu.memory_space<semaphore_mem>> -> memref<!tpu.dma_semaphore, #tpu.memory_space<semaphore_mem>>
    tpu.wait_indirect_dma semaphore(%dma_wait3A_178 : memref<!tpu.dma_semaphore, #tpu.memory_space<semaphore_mem>>) src(%dma_wait3A_176 : memref<100000x128xf32, #tpu.memory_space<hbm>>) dst(%dma_wait3A_170 : memref<128x128xf32, #tpu.memory_space<vmem>>)
    %dma_start3A_179 = arith.constant 1 : i32
    %dma_start3A_180 = arith.constant 43 : i32
    %dma_start3A_181 = arith.constant 1 : i32
    %dma_start3A_182 = arith.constant 0 : i32
    %dma_start3A_183 = arith.constant 0 : i32
    %dma_start3A_184 = tpu.memref_slice %arg6[%dma_start3A_179, %dma_start3A_182, %dma_start3A_183] : memref<6x128x128xf32, #tpu.memory_space<vmem>> -> memref<1x128x128xf32, #tpu.memory_space<vmem>>
    %dma_start3A_185 = tpu.memref_squeeze %dma_start3A_184 : memref<1x128x128xf32, #tpu.memory_space<vmem>> -> memref<128x128xf32, #tpu.memory_space<vmem>>
    %dma_start3A_186 = arith.constant 0 : i32
    %dma_start3A_187 = tpu.memref_slice %arg4[%dma_start3A_180, %mul3A_2, %dma_start3A_186] : memref<50x4096x128xf32, #tpu.memory_space<hbm>> -> memref<1x128x128xf32, #tpu.memory_space<hbm>>
    %dma_start3A_188 = tpu.memref_squeeze %dma_start3A_187 : memref<1x128x128xf32, #tpu.memory_space<hbm>> -> memref<128x128xf32, #tpu.memory_space<hbm>>
    %dma_start3A_189 = tpu.memref_slice %arg8[%dma_start3A_181] : memref<6x!tpu.dma_semaphore, #tpu.memory_space<semaphore_mem>> -> memref<1x!tpu.dma_semaphore, #tpu.memory_space<semaphore_mem>>
    %dma_start3A_190 = tpu.memref_squeeze %dma_start3A_189 : memref<1x!tpu.dma_semaphore, #tpu.memory_space<semaphore_mem>> -> memref<!tpu.dma_semaphore, #tpu.memory_space<semaphore_mem>>
    %dma_start3A_191 = arith.constant 0 : i32
    %dma_start3A_192 = tpu.memref_slice %arg4[%dma_start3A_180, %mul3A_2, %dma_start3A_191] : memref<50x4096x128xf32, #tpu.memory_space<hbm>> -> memref<1x128x128xf32, #tpu.memory_space<hbm>>
    %dma_start3A_193 = tpu.memref_squeeze %dma_start3A_192 : memref<1x128x128xf32, #tpu.memory_space<hbm>> -> memref<128x128xf32, #tpu.memory_space<hbm>>
    %dma_start3A_194 = arith.constant 0 : i32
    %dma_start3A_195 = arith.constant 0 : i32
    %dma_start3A_196 = tpu.memref_slice %arg6[%dma_start3A_179, %dma_start3A_194, %dma_start3A_195] : memref<6x128x128xf32, #tpu.memory_space<vmem>> -> memref<1x128x128xf32, #tpu.memory_space<vmem>>
    %dma_start3A_197 = tpu.memref_squeeze %dma_start3A_196 : memref<1x128x128xf32, #tpu.memory_space<vmem>> -> memref<128x128xf32, #tpu.memory_space<vmem>>
    tpu.enqueue_dma source(%dma_start3A_197 : memref<128x128xf32, #tpu.memory_space<vmem>>) target(%dma_start3A_193 : memref<128x128xf32, #tpu.memory_space<hbm>>) target_semaphore(%dma_start3A_190 : memref<!tpu.dma_semaphore, #tpu.memory_space<semaphore_mem>>)
    %dma_wait3A_198 = arith.constant 1 : i32
    %dma_wait3A_199 = arith.constant 43 : i32
    %dma_wait3A_200 = arith.constant 1 : i32
    %dma_wait3A_201 = arith.constant 0 : i32
    %dma_wait3A_202 = arith.constant 0 : i32
    %dma_wait3A_203 = tpu.memref_slice %arg6[%dma_wait3A_198, %dma_wait3A_201, %dma_wait3A_202] : memref<6x128x128xf32, #tpu.memory_space<vmem>> -> memref<1x128x128xf32, #tpu.memory_space<vmem>>
    %dma_wait3A_204 = tpu.memref_squeeze %dma_wait3A_203 : memref<1x128x128xf32, #tpu.memory_space<vmem>> -> memref<128x128xf32, #tpu.memory_space<vmem>>
    %dma_wait3A_205 = arith.constant 0 : i32
    %dma_wait3A_206 = tpu.memref_slice %arg4[%dma_wait3A_199, %mul3A_2, %dma_wait3A_205] : memref<50x4096x128xf32, #tpu.memory_space<hbm>> -> memref<1x128x128xf32, #tpu.memory_space<hbm>>
    %dma_wait3A_207 = tpu.memref_squeeze %dma_wait3A_206 : memref<1x128x128xf32, #tpu.memory_space<hbm>> -> memref<128x128xf32, #tpu.memory_space<hbm>>
    %dma_wait3A_208 = tpu.memref_slice %arg8[%dma_wait3A_200] : memref<6x!tpu.dma_semaphore, #tpu.memory_space<semaphore_mem>> -> memref<1x!tpu.dma_semaphore, #tpu.memory_space<semaphore_mem>>
    %dma_wait3A_209 = tpu.memref_squeeze %dma_wait3A_208 : memref<1x!tpu.dma_semaphore, #tpu.memory_space<semaphore_mem>> -> memref<!tpu.dma_semaphore, #tpu.memory_space<semaphore_mem>>
    %dma_wait3A_210 = arith.constant 0 : i32
    %dma_wait3A_211 = tpu.memref_slice %arg4[%dma_wait3A_199, %mul3A_2, %dma_wait3A_210] : memref<50x4096x128xf32, #tpu.memory_space<hbm>> -> memref<1x128x128xf32, #tpu.memory_space<hbm>>
    %dma_wait3A_212 = tpu.memref_squeeze %dma_wait3A_211 : memref<1x128x128xf32, #tpu.memory_space<hbm>> -> memref<128x128xf32, #tpu.memory_space<hbm>>
    %dma_wait3A_213 = arith.constant 0 : i32
    %dma_wait3A_214 = arith.constant 0 : i32
    %dma_wait3A_215 = tpu.memref_slice %arg6[%dma_wait3A_198, %dma_wait3A_213, %dma_wait3A_214] : memref<6x128x128xf32, #tpu.memory_space<vmem>> -> memref<1x128x128xf32, #tpu.memory_space<vmem>>
    %dma_wait3A_216 = tpu.memref_squeeze %dma_wait3A_215 : memref<1x128x128xf32, #tpu.memory_space<vmem>> -> memref<128x128xf32, #tpu.memory_space<vmem>>
    tpu.wait_dma2 semaphore(%dma_wait3A_209 : memref<!tpu.dma_semaphore, #tpu.memory_space<semaphore_mem>>) src(%dma_wait3A_216 : memref<128x128xf32, #tpu.memory_space<vmem>>) dst(%dma_wait3A_212 : memref<128x128xf32, #tpu.memory_space<hbm>>)
    %dma_start3A_217 = arith.constant 49 : i32
    %dma_start3A_218 = arith.constant 1 : i32
    %dma_start3A_219 = arith.constant 1 : i32
    %dma_start3A_220 = arith.constant 0 : i32
    %dma_start3A_221 = arith.constant 0 : i32
    %dma_start3A_222 = tpu.memref_slice %arg6[%dma_start3A_218, %dma_start3A_220, %dma_start3A_221] : memref<6x128x128xf32, #tpu.memory_space<vmem>> -> memref<1x128x128xf32, #tpu.memory_space<vmem>>
    %dma_start3A_223 = tpu.memref_squeeze %dma_start3A_222 : memref<1x128x128xf32, #tpu.memory_space<vmem>> -> memref<128x128xf32, #tpu.memory_space<vmem>>
    %dma_start3A_224 = arith.constant 0 : i32
    %dma_start3A_225 = tpu.memref_slice %arg5[%dma_start3A_217, %dma_start3A_224] : memref<50x128xi32, #tpu.memory_space<vmem>> -> memref<1x128xi32, #tpu.memory_space<vmem>>
    %dma_start3A_226 = tpu.memref_squeeze %dma_start3A_225 : memref<1x128xi32, #tpu.memory_space<vmem>> -> memref<128xi32, #tpu.memory_space<vmem>>
    %dma_start3A_227 = arith.constant 0 : i32
    %dma_start3A_228 = arith.constant 0 : i32
    %dma_start3A_229 = tpu.memref_slice %arg2[%dma_start3A_227, %dma_start3A_228] : memref<100000x128xf32, #tpu.memory_space<hbm>> -> memref<100000x128xf32, #tpu.memory_space<hbm>>
    %dma_start3A_230 = tpu.memref_slice %arg7[%dma_start3A_219] : memref<6x!tpu.dma_semaphore, #tpu.memory_space<semaphore_mem>> -> memref<1x!tpu.dma_semaphore, #tpu.memory_space<semaphore_mem>>
    %dma_start3A_231 = tpu.memref_squeeze %dma_start3A_230 : memref<1x!tpu.dma_semaphore, #tpu.memory_space<semaphore_mem>> -> memref<!tpu.dma_semaphore, #tpu.memory_space<semaphore_mem>>
    tpu.enqueue_indirect_dma source(%dma_start3A_229 : memref<100000x128xf32, #tpu.memory_space<hbm>>) target(%dma_start3A_223 : memref<128x128xf32, #tpu.memory_space<vmem>>) offsets(%dma_start3A_226 : memref<128xi32, #tpu.memory_space<vmem>>) semaphore(%dma_start3A_231 : memref<!tpu.dma_semaphore, #tpu.memory_space<semaphore_mem>>)
    %dma_wait3A_232 = arith.constant 44 : i32
    %dma_wait3A_233 = arith.constant 2 : i32
    %dma_wait3A_234 = arith.constant 2 : i32
    %dma_wait3A_235 = arith.constant 0 : i32
    %dma_wait3A_236 = arith.constant 0 : i32
    %dma_wait3A_237 = tpu.memref_slice %arg6[%dma_wait3A_233, %dma_wait3A_235, %dma_wait3A_236] : memref<6x128x128xf32, #tpu.memory_space<vmem>> -> memref<1x128x128xf32, #tpu.memory_space<vmem>>
    %dma_wait3A_238 = tpu.memref_squeeze %dma_wait3A_237 : memref<1x128x128xf32, #tpu.memory_space<vmem>> -> memref<128x128xf32, #tpu.memory_space<vmem>>
    %dma_wait3A_239 = arith.constant 0 : i32
    %dma_wait3A_240 = tpu.memref_slice %arg5[%dma_wait3A_232, %dma_wait3A_239] : memref<50x128xi32, #tpu.memory_space<vmem>> -> memref<1x128xi32, #tpu.memory_space<vmem>>
    %dma_wait3A_241 = tpu.memref_squeeze %dma_wait3A_240 : memref<1x128xi32, #tpu.memory_space<vmem>> -> memref<128xi32, #tpu.memory_space<vmem>>
    %dma_wait3A_242 = arith.constant 0 : i32
    %dma_wait3A_243 = arith.constant 0 : i32
    %dma_wait3A_244 = tpu.memref_slice %arg2[%dma_wait3A_242, %dma_wait3A_243] : memref<100000x128xf32, #tpu.memory_space<hbm>> -> memref<100000x128xf32, #tpu.memory_space<hbm>>
    %dma_wait3A_245 = tpu.memref_slice %arg7[%dma_wait3A_234] : memref<6x!tpu.dma_semaphore, #tpu.memory_space<semaphore_mem>> -> memref<1x!tpu.dma_semaphore, #tpu.memory_space<semaphore_mem>>
    %dma_wait3A_246 = tpu.memref_squeeze %dma_wait3A_245 : memref<1x!tpu.dma_semaphore, #tpu.memory_space<semaphore_mem>> -> memref<!tpu.dma_semaphore, #tpu.memory_space<semaphore_mem>>
    tpu.wait_indirect_dma semaphore(%dma_wait3A_246 : memref<!tpu.dma_semaphore, #tpu.memory_space<semaphore_mem>>) src(%dma_wait3A_244 : memref<100000x128xf32, #tpu.memory_space<hbm>>) dst(%dma_wait3A_238 : memref<128x128xf32, #tpu.memory_space<vmem>>)
    %dma_start3A_247 = arith.constant 2 : i32
    %dma_start3A_248 = arith.constant 44 : i32
    %dma_start3A_249 = arith.constant 2 : i32
    %dma_start3A_250 = arith.constant 0 : i32
    %dma_start3A_251 = arith.constant 0 : i32
    %dma_start3A_252 = tpu.memref_slice %arg6[%dma_start3A_247, %dma_start3A_250, %dma_start3A_251] : memref<6x128x128xf32, #tpu.memory_space<vmem>> -> memref<1x128x128xf32, #tpu.memory_space<vmem>>
    %dma_start3A_253 = tpu.memref_squeeze %dma_start3A_252 : memref<1x128x128xf32, #tpu.memory_space<vmem>> -> memref<128x128xf32, #tpu.memory_space<vmem>>
    %dma_start3A_254 = arith.constant 0 : i32
    %dma_start3A_255 = tpu.memref_slice %arg4[%dma_start3A_248, %mul3A_2, %dma_start3A_254] : memref<50x4096x128xf32, #tpu.memory_space<hbm>> -> memref<1x128x128xf32, #tpu.memory_space<hbm>>
    %dma_start3A_256 = tpu.memref_squeeze %dma_start3A_255 : memref<1x128x128xf32, #tpu.memory_space<hbm>> -> memref<128x128xf32, #tpu.memory_space<hbm>>
    %dma_start3A_257 = tpu.memref_slice %arg8[%dma_start3A_249] : memref<6x!tpu.dma_semaphore, #tpu.memory_space<semaphore_mem>> -> memref<1x!tpu.dma_semaphore, #tpu.memory_space<semaphore_mem>>
    %dma_start3A_258 = tpu.memref_squeeze %dma_start3A_257 : memref<1x!tpu.dma_semaphore, #tpu.memory_space<semaphore_mem>> -> memref<!tpu.dma_semaphore, #tpu.memory_space<semaphore_mem>>
    %dma_start3A_259 = arith.constant 0 : i32
    %dma_start3A_260 = tpu.memref_slice %arg4[%dma_start3A_248, %mul3A_2, %dma_start3A_259] : memref<50x4096x128xf32, #tpu.memory_space<hbm>> -> memref<1x128x128xf32, #tpu.memory_space<hbm>>
    %dma_start3A_261 = tpu.memref_squeeze %dma_start3A_260 : memref<1x128x128xf32, #tpu.memory_space<hbm>> -> memref<128x128xf32, #tpu.memory_space<hbm>>
    %dma_start3A_262 = arith.constant 0 : i32
    %dma_start3A_263 = arith.constant 0 : i32
    %dma_start3A_264 = tpu.memref_slice %arg6[%dma_start3A_247, %dma_start3A_262, %dma_start3A_263] : memref<6x128x128xf32, #tpu.memory_space<vmem>> -> memref<1x128x128xf32, #tpu.memory_space<vmem>>
    %dma_start3A_265 = tpu.memref_squeeze %dma_start3A_264 : memref<1x128x128xf32, #tpu.memory_space<vmem>> -> memref<128x128xf32, #tpu.memory_space<vmem>>
    tpu.enqueue_dma source(%dma_start3A_265 : memref<128x128xf32, #tpu.memory_space<vmem>>) target(%dma_start3A_261 : memref<128x128xf32, #tpu.memory_space<hbm>>) target_semaphore(%dma_start3A_258 : memref<!tpu.dma_semaphore, #tpu.memory_space<semaphore_mem>>)
    %dma_wait3A_266 = arith.constant 2 : i32
    %dma_wait3A_267 = arith.constant 44 : i32
    %dma_wait3A_268 = arith.constant 2 : i32
    %dma_wait3A_269 = arith.constant 0 : i32
    %dma_wait3A_270 = arith.constant 0 : i32
    %dma_wait3A_271 = tpu.memref_slice %arg6[%dma_wait3A_266, %dma_wait3A_269, %dma_wait3A_270] : memref<6x128x128xf32, #tpu.memory_space<vmem>> -> memref<1x128x128xf32, #tpu.memory_space<vmem>>
    %dma_wait3A_272 = tpu.memref_squeeze %dma_wait3A_271 : memref<1x128x128xf32, #tpu.memory_space<vmem>> -> memref<128x128xf32, #tpu.memory_space<vmem>>
    %dma_wait3A_273 = arith.constant 0 : i32
    %dma_wait3A_274 = tpu.memref_slice %arg4[%dma_wait3A_267, %mul3A_2, %dma_wait3A_273] : memref<50x4096x128xf32, #tpu.memory_space<hbm>> -> memref<1x128x128xf32, #tpu.memory_space<hbm>>
    %dma_wait3A_275 = tpu.memref_squeeze %dma_wait3A_274 : memref<1x128x128xf32, #tpu.memory_space<hbm>> -> memref<128x128xf32, #tpu.memory_space<hbm>>
    %dma_wait3A_276 = tpu.memref_slice %arg8[%dma_wait3A_268] : memref<6x!tpu.dma_semaphore, #tpu.memory_space<semaphore_mem>> -> memref<1x!tpu.dma_semaphore, #tpu.memory_space<semaphore_mem>>
    %dma_wait3A_277 = tpu.memref_squeeze %dma_wait3A_276 : memref<1x!tpu.dma_semaphore, #tpu.memory_space<semaphore_mem>> -> memref<!tpu.dma_semaphore, #tpu.memory_space<semaphore_mem>>
    %dma_wait3A_278 = arith.constant 0 : i32
    %dma_wait3A_279 = tpu.memref_slice %arg4[%dma_wait3A_267, %mul3A_2, %dma_wait3A_278] : memref<50x4096x128xf32, #tpu.memory_space<hbm>> -> memref<1x128x128xf32, #tpu.memory_space<hbm>>
    %dma_wait3A_280 = tpu.memref_squeeze %dma_wait3A_279 : memref<1x128x128xf32, #tpu.memory_space<hbm>> -> memref<128x128xf32, #tpu.memory_space<hbm>>
    %dma_wait3A_281 = arith.constant 0 : i32
    %dma_wait3A_282 = arith.constant 0 : i32
    %dma_wait3A_283 = tpu.memref_slice %arg6[%dma_wait3A_266, %dma_wait3A_281, %dma_wait3A_282] : memref<6x128x128xf32, #tpu.memory_space<vmem>> -> memref<1x128x128xf32, #tpu.memory_space<vmem>>
    %dma_wait3A_284 = tpu.memref_squeeze %dma_wait3A_283 : memref<1x128x128xf32, #tpu.memory_space<vmem>> -> memref<128x128xf32, #tpu.memory_space<vmem>>
    tpu.wait_dma2 semaphore(%dma_wait3A_277 : memref<!tpu.dma_semaphore, #tpu.memory_space<semaphore_mem>>) src(%dma_wait3A_284 : memref<128x128xf32, #tpu.memory_space<vmem>>) dst(%dma_wait3A_280 : memref<128x128xf32, #tpu.memory_space<hbm>>)
    %dma_wait3A_285 = arith.constant 45 : i32
    %dma_wait3A_286 = arith.constant 3 : i32
    %dma_wait3A_287 = arith.constant 3 : i32
    %dma_wait3A_288 = arith.constant 0 : i32
    %dma_wait3A_289 = arith.constant 0 : i32
    %dma_wait3A_290 = tpu.memref_slice %arg6[%dma_wait3A_286, %dma_wait3A_288, %dma_wait3A_289] : memref<6x128x128xf32, #tpu.memory_space<vmem>> -> memref<1x128x128xf32, #tpu.memory_space<vmem>>
    %dma_wait3A_291 = tpu.memref_squeeze %dma_wait3A_290 : memref<1x128x128xf32, #tpu.memory_space<vmem>> -> memref<128x128xf32, #tpu.memory_space<vmem>>
    %dma_wait3A_292 = arith.constant 0 : i32
    %dma_wait3A_293 = tpu.memref_slice %arg5[%dma_wait3A_285, %dma_wait3A_292] : memref<50x128xi32, #tpu.memory_space<vmem>> -> memref<1x128xi32, #tpu.memory_space<vmem>>
    %dma_wait3A_294 = tpu.memref_squeeze %dma_wait3A_293 : memref<1x128xi32, #tpu.memory_space<vmem>> -> memref<128xi32, #tpu.memory_space<vmem>>
    %dma_wait3A_295 = arith.constant 0 : i32
    %dma_wait3A_296 = arith.constant 0 : i32
    %dma_wait3A_297 = tpu.memref_slice %arg2[%dma_wait3A_295, %dma_wait3A_296] : memref<100000x128xf32, #tpu.memory_space<hbm>> -> memref<100000x128xf32, #tpu.memory_space<hbm>>
    %dma_wait3A_298 = tpu.memref_slice %arg7[%dma_wait3A_287] : memref<6x!tpu.dma_semaphore, #tpu.memory_space<semaphore_mem>> -> memref<1x!tpu.dma_semaphore, #tpu.memory_space<semaphore_mem>>
    %dma_wait3A_299 = tpu.memref_squeeze %dma_wait3A_298 : memref<1x!tpu.dma_semaphore, #tpu.memory_space<semaphore_mem>> -> memref<!tpu.dma_semaphore, #tpu.memory_space<semaphore_mem>>
    tpu.wait_indirect_dma semaphore(%dma_wait3A_299 : memref<!tpu.dma_semaphore, #tpu.memory_space<semaphore_mem>>) src(%dma_wait3A_297 : memref<100000x128xf32, #tpu.memory_space<hbm>>) dst(%dma_wait3A_291 : memref<128x128xf32, #tpu.memory_space<vmem>>)
    %dma_start3A_300 = arith.constant 3 : i32
    %dma_start3A_301 = arith.constant 45 : i32
    %dma_start3A_302 = arith.constant 3 : i32
    %dma_start3A_303 = arith.constant 0 : i32
    %dma_start3A_304 = arith.constant 0 : i32
    %dma_start3A_305 = tpu.memref_slice %arg6[%dma_start3A_300, %dma_start3A_303, %dma_start3A_304] : memref<6x128x128xf32, #tpu.memory_space<vmem>> -> memref<1x128x128xf32, #tpu.memory_space<vmem>>
    %dma_start3A_306 = tpu.memref_squeeze %dma_start3A_305 : memref<1x128x128xf32, #tpu.memory_space<vmem>> -> memref<128x128xf32, #tpu.memory_space<vmem>>
    %dma_start3A_307 = arith.constant 0 : i32
    %dma_start3A_308 = tpu.memref_slice %arg4[%dma_start3A_301, %mul3A_2, %dma_start3A_307] : memref<50x4096x128xf32, #tpu.memory_space<hbm>> -> memref<1x128x128xf32, #tpu.memory_space<hbm>>
    %dma_start3A_309 = tpu.memref_squeeze %dma_start3A_308 : memref<1x128x128xf32, #tpu.memory_space<hbm>> -> memref<128x128xf32, #tpu.memory_space<hbm>>
    %dma_start3A_310 = tpu.memref_slice %arg8[%dma_start3A_302] : memref<6x!tpu.dma_semaphore, #tpu.memory_space<semaphore_mem>> -> memref<1x!tpu.dma_semaphore, #tpu.memory_space<semaphore_mem>>
    %dma_start3A_311 = tpu.memref_squeeze %dma_start3A_310 : memref<1x!tpu.dma_semaphore, #tpu.memory_space<semaphore_mem>> -> memref<!tpu.dma_semaphore, #tpu.memory_space<semaphore_mem>>
    %dma_start3A_312 = arith.constant 0 : i32
    %dma_start3A_313 = tpu.memref_slice %arg4[%dma_start3A_301, %mul3A_2, %dma_start3A_312] : memref<50x4096x128xf32, #tpu.memory_space<hbm>> -> memref<1x128x128xf32, #tpu.memory_space<hbm>>
    %dma_start3A_314 = tpu.memref_squeeze %dma_start3A_313 : memref<1x128x128xf32, #tpu.memory_space<hbm>> -> memref<128x128xf32, #tpu.memory_space<hbm>>
    %dma_start3A_315 = arith.constant 0 : i32
    %dma_start3A_316 = arith.constant 0 : i32
    %dma_start3A_317 = tpu.memref_slice %arg6[%dma_start3A_300, %dma_start3A_315, %dma_start3A_316] : memref<6x128x128xf32, #tpu.memory_space<vmem>> -> memref<1x128x128xf32, #tpu.memory_space<vmem>>
    %dma_start3A_318 = tpu.memref_squeeze %dma_start3A_317 : memref<1x128x128xf32, #tpu.memory_space<vmem>> -> memref<128x128xf32, #tpu.memory_space<vmem>>
    tpu.enqueue_dma source(%dma_start3A_318 : memref<128x128xf32, #tpu.memory_space<vmem>>) target(%dma_start3A_314 : memref<128x128xf32, #tpu.memory_space<hbm>>) target_semaphore(%dma_start3A_311 : memref<!tpu.dma_semaphore, #tpu.memory_space<semaphore_mem>>)
    %dma_wait3A_319 = arith.constant 3 : i32
    %dma_wait3A_320 = arith.constant 45 : i32
    %dma_wait3A_321 = arith.constant 3 : i32
    %dma_wait3A_322 = arith.constant 0 : i32
    %dma_wait3A_323 = arith.constant 0 : i32
    %dma_wait3A_324 = tpu.memref_slice %arg6[%dma_wait3A_319, %dma_wait3A_322, %dma_wait3A_323] : memref<6x128x128xf32, #tpu.memory_space<vmem>> -> memref<1x128x128xf32, #tpu.memory_space<vmem>>
    %dma_wait3A_325 = tpu.memref_squeeze %dma_wait3A_324 : memref<1x128x128xf32, #tpu.memory_space<vmem>> -> memref<128x128xf32, #tpu.memory_space<vmem>>
    %dma_wait3A_326 = arith.constant 0 : i32
    %dma_wait3A_327 = tpu.memref_slice %arg4[%dma_wait3A_320, %mul3A_2, %dma_wait3A_326] : memref<50x4096x128xf32, #tpu.memory_space<hbm>> -> memref<1x128x128xf32, #tpu.memory_space<hbm>>
    %dma_wait3A_328 = tpu.memref_squeeze %dma_wait3A_327 : memref<1x128x128xf32, #tpu.memory_space<hbm>> -> memref<128x128xf32, #tpu.memory_space<hbm>>
    %dma_wait3A_329 = tpu.memref_slice %arg8[%dma_wait3A_321] : memref<6x!tpu.dma_semaphore, #tpu.memory_space<semaphore_mem>> -> memref<1x!tpu.dma_semaphore, #tpu.memory_space<semaphore_mem>>
    %dma_wait3A_330 = tpu.memref_squeeze %dma_wait3A_329 : memref<1x!tpu.dma_semaphore, #tpu.memory_space<semaphore_mem>> -> memref<!tpu.dma_semaphore, #tpu.memory_space<semaphore_mem>>
    %dma_wait3A_331 = arith.constant 0 : i32
    %dma_wait3A_332 = tpu.memref_slice %arg4[%dma_wait3A_320, %mul3A_2, %dma_wait3A_331] : memref<50x4096x128xf32, #tpu.memory_space<hbm>> -> memref<1x128x128xf32, #tpu.memory_space<hbm>>
    %dma_wait3A_333 = tpu.memref_squeeze %dma_wait3A_332 : memref<1x128x128xf32, #tpu.memory_space<hbm>> -> memref<128x128xf32, #tpu.memory_space<hbm>>
    %dma_wait3A_334 = arith.constant 0 : i32
    %dma_wait3A_335 = arith.constant 0 : i32
    %dma_wait3A_336 = tpu.memref_slice %arg6[%dma_wait3A_319, %dma_wait3A_334, %dma_wait3A_335] : memref<6x128x128xf32, #tpu.memory_space<vmem>> -> memref<1x128x128xf32, #tpu.memory_space<vmem>>
    %dma_wait3A_337 = tpu.memref_squeeze %dma_wait3A_336 : memref<1x128x128xf32, #tpu.memory_space<vmem>> -> memref<128x128xf32, #tpu.memory_space<vmem>>
    tpu.wait_dma2 semaphore(%dma_wait3A_330 : memref<!tpu.dma_semaphore, #tpu.memory_space<semaphore_mem>>) src(%dma_wait3A_337 : memref<128x128xf32, #tpu.memory_space<vmem>>) dst(%dma_wait3A_333 : memref<128x128xf32, #tpu.memory_space<hbm>>)
    %dma_wait3A_338 = arith.constant 46 : i32
    %dma_wait3A_339 = arith.constant 4 : i32
    %dma_wait3A_340 = arith.constant 4 : i32
    %dma_wait3A_341 = arith.constant 0 : i32
    %dma_wait3A_342 = arith.constant 0 : i32
    %dma_wait3A_343 = tpu.memref_slice %arg6[%dma_wait3A_339, %dma_wait3A_341, %dma_wait3A_342] : memref<6x128x128xf32, #tpu.memory_space<vmem>> -> memref<1x128x128xf32, #tpu.memory_space<vmem>>
    %dma_wait3A_344 = tpu.memref_squeeze %dma_wait3A_343 : memref<1x128x128xf32, #tpu.memory_space<vmem>> -> memref<128x128xf32, #tpu.memory_space<vmem>>
    %dma_wait3A_345 = arith.constant 0 : i32
    %dma_wait3A_346 = tpu.memref_slice %arg5[%dma_wait3A_338, %dma_wait3A_345] : memref<50x128xi32, #tpu.memory_space<vmem>> -> memref<1x128xi32, #tpu.memory_space<vmem>>
    %dma_wait3A_347 = tpu.memref_squeeze %dma_wait3A_346 : memref<1x128xi32, #tpu.memory_space<vmem>> -> memref<128xi32, #tpu.memory_space<vmem>>
    %dma_wait3A_348 = arith.constant 0 : i32
    %dma_wait3A_349 = arith.constant 0 : i32
    %dma_wait3A_350 = tpu.memref_slice %arg2[%dma_wait3A_348, %dma_wait3A_349] : memref<100000x128xf32, #tpu.memory_space<hbm>> -> memref<100000x128xf32, #tpu.memory_space<hbm>>
    %dma_wait3A_351 = tpu.memref_slice %arg7[%dma_wait3A_340] : memref<6x!tpu.dma_semaphore, #tpu.memory_space<semaphore_mem>> -> memref<1x!tpu.dma_semaphore, #tpu.memory_space<semaphore_mem>>
    %dma_wait3A_352 = tpu.memref_squeeze %dma_wait3A_351 : memref<1x!tpu.dma_semaphore, #tpu.memory_space<semaphore_mem>> -> memref<!tpu.dma_semaphore, #tpu.memory_space<semaphore_mem>>
    tpu.wait_indirect_dma semaphore(%dma_wait3A_352 : memref<!tpu.dma_semaphore, #tpu.memory_space<semaphore_mem>>) src(%dma_wait3A_350 : memref<100000x128xf32, #tpu.memory_space<hbm>>) dst(%dma_wait3A_344 : memref<128x128xf32, #tpu.memory_space<vmem>>)
    %dma_start3A_353 = arith.constant 4 : i32
    %dma_start3A_354 = arith.constant 46 : i32
    %dma_start3A_355 = arith.constant 4 : i32
    %dma_start3A_356 = arith.constant 0 : i32
    %dma_start3A_357 = arith.constant 0 : i32
    %dma_start3A_358 = tpu.memref_slice %arg6[%dma_start3A_353, %dma_start3A_356, %dma_start3A_357] : memref<6x128x128xf32, #tpu.memory_space<vmem>> -> memref<1x128x128xf32, #tpu.memory_space<vmem>>
    %dma_start3A_359 = tpu.memref_squeeze %dma_start3A_358 : memref<1x128x128xf32, #tpu.memory_space<vmem>> -> memref<128x128xf32, #tpu.memory_space<vmem>>
    %dma_start3A_360 = arith.constant 0 : i32
    %dma_start3A_361 = tpu.memref_slice %arg4[%dma_start3A_354, %mul3A_2, %dma_start3A_360] : memref<50x4096x128xf32, #tpu.memory_space<hbm>> -> memref<1x128x128xf32, #tpu.memory_space<hbm>>
    %dma_start3A_362 = tpu.memref_squeeze %dma_start3A_361 : memref<1x128x128xf32, #tpu.memory_space<hbm>> -> memref<128x128xf32, #tpu.memory_space<hbm>>
    %dma_start3A_363 = tpu.memref_slice %arg8[%dma_start3A_355] : memref<6x!tpu.dma_semaphore, #tpu.memory_space<semaphore_mem>> -> memref<1x!tpu.dma_semaphore, #tpu.memory_space<semaphore_mem>>
    %dma_start3A_364 = tpu.memref_squeeze %dma_start3A_363 : memref<1x!tpu.dma_semaphore, #tpu.memory_space<semaphore_mem>> -> memref<!tpu.dma_semaphore, #tpu.memory_space<semaphore_mem>>
    %dma_start3A_365 = arith.constant 0 : i32
    %dma_start3A_366 = tpu.memref_slice %arg4[%dma_start3A_354, %mul3A_2, %dma_start3A_365] : memref<50x4096x128xf32, #tpu.memory_space<hbm>> -> memref<1x128x128xf32, #tpu.memory_space<hbm>>
    %dma_start3A_367 = tpu.memref_squeeze %dma_start3A_366 : memref<1x128x128xf32, #tpu.memory_space<hbm>> -> memref<128x128xf32, #tpu.memory_space<hbm>>
    %dma_start3A_368 = arith.constant 0 : i32
    %dma_start3A_369 = arith.constant 0 : i32
    %dma_start3A_370 = tpu.memref_slice %arg6[%dma_start3A_353, %dma_start3A_368, %dma_start3A_369] : memref<6x128x128xf32, #tpu.memory_space<vmem>> -> memref<1x128x128xf32, #tpu.memory_space<vmem>>
    %dma_start3A_371 = tpu.memref_squeeze %dma_start3A_370 : memref<1x128x128xf32, #tpu.memory_space<vmem>> -> memref<128x128xf32, #tpu.memory_space<vmem>>
    tpu.enqueue_dma source(%dma_start3A_371 : memref<128x128xf32, #tpu.memory_space<vmem>>) target(%dma_start3A_367 : memref<128x128xf32, #tpu.memory_space<hbm>>) target_semaphore(%dma_start3A_364 : memref<!tpu.dma_semaphore, #tpu.memory_space<semaphore_mem>>)
    %dma_wait3A_372 = arith.constant 4 : i32
    %dma_wait3A_373 = arith.constant 46 : i32
    %dma_wait3A_374 = arith.constant 4 : i32
    %dma_wait3A_375 = arith.constant 0 : i32
    %dma_wait3A_376 = arith.constant 0 : i32
    %dma_wait3A_377 = tpu.memref_slice %arg6[%dma_wait3A_372, %dma_wait3A_375, %dma_wait3A_376] : memref<6x128x128xf32, #tpu.memory_space<vmem>> -> memref<1x128x128xf32, #tpu.memory_space<vmem>>
    %dma_wait3A_378 = tpu.memref_squeeze %dma_wait3A_377 : memref<1x128x128xf32, #tpu.memory_space<vmem>> -> memref<128x128xf32, #tpu.memory_space<vmem>>
    %dma_wait3A_379 = arith.constant 0 : i32
    %dma_wait3A_380 = tpu.memref_slice %arg4[%dma_wait3A_373, %mul3A_2, %dma_wait3A_379] : memref<50x4096x128xf32, #tpu.memory_space<hbm>> -> memref<1x128x128xf32, #tpu.memory_space<hbm>>
    %dma_wait3A_381 = tpu.memref_squeeze %dma_wait3A_380 : memref<1x128x128xf32, #tpu.memory_space<hbm>> -> memref<128x128xf32, #tpu.memory_space<hbm>>
    %dma_wait3A_382 = tpu.memref_slice %arg8[%dma_wait3A_374] : memref<6x!tpu.dma_semaphore, #tpu.memory_space<semaphore_mem>> -> memref<1x!tpu.dma_semaphore, #tpu.memory_space<semaphore_mem>>
    %dma_wait3A_383 = tpu.memref_squeeze %dma_wait3A_382 : memref<1x!tpu.dma_semaphore, #tpu.memory_space<semaphore_mem>> -> memref<!tpu.dma_semaphore, #tpu.memory_space<semaphore_mem>>
    %dma_wait3A_384 = arith.constant 0 : i32
    %dma_wait3A_385 = tpu.memref_slice %arg4[%dma_wait3A_373, %mul3A_2, %dma_wait3A_384] : memref<50x4096x128xf32, #tpu.memory_space<hbm>> -> memref<1x128x128xf32, #tpu.memory_space<hbm>>
    %dma_wait3A_386 = tpu.memref_squeeze %dma_wait3A_385 : memref<1x128x128xf32, #tpu.memory_space<hbm>> -> memref<128x128xf32, #tpu.memory_space<hbm>>
    %dma_wait3A_387 = arith.constant 0 : i32
    %dma_wait3A_388 = arith.constant 0 : i32
    %dma_wait3A_389 = tpu.memref_slice %arg6[%dma_wait3A_372, %dma_wait3A_387, %dma_wait3A_388] : memref<6x128x128xf32, #tpu.memory_space<vmem>> -> memref<1x128x128xf32, #tpu.memory_space<vmem>>
    %dma_wait3A_390 = tpu.memref_squeeze %dma_wait3A_389 : memref<1x128x128xf32, #tpu.memory_space<vmem>> -> memref<128x128xf32, #tpu.memory_space<vmem>>
    tpu.wait_dma2 semaphore(%dma_wait3A_383 : memref<!tpu.dma_semaphore, #tpu.memory_space<semaphore_mem>>) src(%dma_wait3A_390 : memref<128x128xf32, #tpu.memory_space<vmem>>) dst(%dma_wait3A_386 : memref<128x128xf32, #tpu.memory_space<hbm>>)
    %dma_wait3A_391 = arith.constant 47 : i32
    %dma_wait3A_392 = arith.constant 5 : i32
    %dma_wait3A_393 = arith.constant 5 : i32
    %dma_wait3A_394 = arith.constant 0 : i32
    %dma_wait3A_395 = arith.constant 0 : i32
    %dma_wait3A_396 = tpu.memref_slice %arg6[%dma_wait3A_392, %dma_wait3A_394, %dma_wait3A_395] : memref<6x128x128xf32, #tpu.memory_space<vmem>> -> memref<1x128x128xf32, #tpu.memory_space<vmem>>
    %dma_wait3A_397 = tpu.memref_squeeze %dma_wait3A_396 : memref<1x128x128xf32, #tpu.memory_space<vmem>> -> memref<128x128xf32, #tpu.memory_space<vmem>>
    %dma_wait3A_398 = arith.constant 0 : i32
    %dma_wait3A_399 = tpu.memref_slice %arg5[%dma_wait3A_391, %dma_wait3A_398] : memref<50x128xi32, #tpu.memory_space<vmem>> -> memref<1x128xi32, #tpu.memory_space<vmem>>
    %dma_wait3A_400 = tpu.memref_squeeze %dma_wait3A_399 : memref<1x128xi32, #tpu.memory_space<vmem>> -> memref<128xi32, #tpu.memory_space<vmem>>
    %dma_wait3A_401 = arith.constant 0 : i32
    %dma_wait3A_402 = arith.constant 0 : i32
    %dma_wait3A_403 = tpu.memref_slice %arg2[%dma_wait3A_401, %dma_wait3A_402] : memref<100000x128xf32, #tpu.memory_space<hbm>> -> memref<100000x128xf32, #tpu.memory_space<hbm>>
    %dma_wait3A_404 = tpu.memref_slice %arg7[%dma_wait3A_393] : memref<6x!tpu.dma_semaphore, #tpu.memory_space<semaphore_mem>> -> memref<1x!tpu.dma_semaphore, #tpu.memory_space<semaphore_mem>>
    %dma_wait3A_405 = tpu.memref_squeeze %dma_wait3A_404 : memref<1x!tpu.dma_semaphore, #tpu.memory_space<semaphore_mem>> -> memref<!tpu.dma_semaphore, #tpu.memory_space<semaphore_mem>>
    tpu.wait_indirect_dma semaphore(%dma_wait3A_405 : memref<!tpu.dma_semaphore, #tpu.memory_space<semaphore_mem>>) src(%dma_wait3A_403 : memref<100000x128xf32, #tpu.memory_space<hbm>>) dst(%dma_wait3A_397 : memref<128x128xf32, #tpu.memory_space<vmem>>)
    %dma_start3A_406 = arith.constant 5 : i32
    %dma_start3A_407 = arith.constant 47 : i32
    %dma_start3A_408 = arith.constant 5 : i32
    %dma_start3A_409 = arith.constant 0 : i32
    %dma_start3A_410 = arith.constant 0 : i32
    %dma_start3A_411 = tpu.memref_slice %arg6[%dma_start3A_406, %dma_start3A_409, %dma_start3A_410] : memref<6x128x128xf32, #tpu.memory_space<vmem>> -> memref<1x128x128xf32, #tpu.memory_space<vmem>>
    %dma_start3A_412 = tpu.memref_squeeze %dma_start3A_411 : memref<1x128x128xf32, #tpu.memory_space<vmem>> -> memref<128x128xf32, #tpu.memory_space<vmem>>
    %dma_start3A_413 = arith.constant 0 : i32
    %dma_start3A_414 = tpu.memref_slice %arg4[%dma_start3A_407, %mul3A_2, %dma_start3A_413] : memref<50x4096x128xf32, #tpu.memory_space<hbm>> -> memref<1x128x128xf32, #tpu.memory_space<hbm>>
    %dma_start3A_415 = tpu.memref_squeeze %dma_start3A_414 : memref<1x128x128xf32, #tpu.memory_space<hbm>> -> memref<128x128xf32, #tpu.memory_space<hbm>>
    %dma_start3A_416 = tpu.memref_slice %arg8[%dma_start3A_408] : memref<6x!tpu.dma_semaphore, #tpu.memory_space<semaphore_mem>> -> memref<1x!tpu.dma_semaphore, #tpu.memory_space<semaphore_mem>>
    %dma_start3A_417 = tpu.memref_squeeze %dma_start3A_416 : memref<1x!tpu.dma_semaphore, #tpu.memory_space<semaphore_mem>> -> memref<!tpu.dma_semaphore, #tpu.memory_space<semaphore_mem>>
    %dma_start3A_418 = arith.constant 0 : i32
    %dma_start3A_419 = tpu.memref_slice %arg4[%dma_start3A_407, %mul3A_2, %dma_start3A_418] : memref<50x4096x128xf32, #tpu.memory_space<hbm>> -> memref<1x128x128xf32, #tpu.memory_space<hbm>>
    %dma_start3A_420 = tpu.memref_squeeze %dma_start3A_419 : memref<1x128x128xf32, #tpu.memory_space<hbm>> -> memref<128x128xf32, #tpu.memory_space<hbm>>
    %dma_start3A_421 = arith.constant 0 : i32
    %dma_start3A_422 = arith.constant 0 : i32
    %dma_start3A_423 = tpu.memref_slice %arg6[%dma_start3A_406, %dma_start3A_421, %dma_start3A_422] : memref<6x128x128xf32, #tpu.memory_space<vmem>> -> memref<1x128x128xf32, #tpu.memory_space<vmem>>
    %dma_start3A_424 = tpu.memref_squeeze %dma_start3A_423 : memref<1x128x128xf32, #tpu.memory_space<vmem>> -> memref<128x128xf32, #tpu.memory_space<vmem>>
    tpu.enqueue_dma source(%dma_start3A_424 : memref<128x128xf32, #tpu.memory_space<vmem>>) target(%dma_start3A_420 : memref<128x128xf32, #tpu.memory_space<hbm>>) target_semaphore(%dma_start3A_417 : memref<!tpu.dma_semaphore, #tpu.memory_space<semaphore_mem>>)
    %dma_wait3A_425 = arith.constant 5 : i32
    %dma_wait3A_426 = arith.constant 47 : i32
    %dma_wait3A_427 = arith.constant 5 : i32
    %dma_wait3A_428 = arith.constant 0 : i32
    %dma_wait3A_429 = arith.constant 0 : i32
    %dma_wait3A_430 = tpu.memref_slice %arg6[%dma_wait3A_425, %dma_wait3A_428, %dma_wait3A_429] : memref<6x128x128xf32, #tpu.memory_space<vmem>> -> memref<1x128x128xf32, #tpu.memory_space<vmem>>
    %dma_wait3A_431 = tpu.memref_squeeze %dma_wait3A_430 : memref<1x128x128xf32, #tpu.memory_space<vmem>> -> memref<128x128xf32, #tpu.memory_space<vmem>>
    %dma_wait3A_432 = arith.constant 0 : i32
    %dma_wait3A_433 = tpu.memref_slice %arg4[%dma_wait3A_426, %mul3A_2, %dma_wait3A_432] : memref<50x4096x128xf32, #tpu.memory_space<hbm>> -> memref<1x128x128xf32, #tpu.memory_space<hbm>>
    %dma_wait3A_434 = tpu.memref_squeeze %dma_wait3A_433 : memref<1x128x128xf32, #tpu.memory_space<hbm>> -> memref<128x128xf32, #tpu.memory_space<hbm>>
    %dma_wait3A_435 = tpu.memref_slice %arg8[%dma_wait3A_427] : memref<6x!tpu.dma_semaphore, #tpu.memory_space<semaphore_mem>> -> memref<1x!tpu.dma_semaphore, #tpu.memory_space<semaphore_mem>>
    %dma_wait3A_436 = tpu.memref_squeeze %dma_wait3A_435 : memref<1x!tpu.dma_semaphore, #tpu.memory_space<semaphore_mem>> -> memref<!tpu.dma_semaphore, #tpu.memory_space<semaphore_mem>>
    %dma_wait3A_437 = arith.constant 0 : i32
    %dma_wait3A_438 = tpu.memref_slice %arg4[%dma_wait3A_426, %mul3A_2, %dma_wait3A_437] : memref<50x4096x128xf32, #tpu.memory_space<hbm>> -> memref<1x128x128xf32, #tpu.memory_space<hbm>>
    %dma_wait3A_439 = tpu.memref_squeeze %dma_wait3A_438 : memref<1x128x128xf32, #tpu.memory_space<hbm>> -> memref<128x128xf32, #tpu.memory_space<hbm>>
    %dma_wait3A_440 = arith.constant 0 : i32
    %dma_wait3A_441 = arith.constant 0 : i32
    %dma_wait3A_442 = tpu.memref_slice %arg6[%dma_wait3A_425, %dma_wait3A_440, %dma_wait3A_441] : memref<6x128x128xf32, #tpu.memory_space<vmem>> -> memref<1x128x128xf32, #tpu.memory_space<vmem>>
    %dma_wait3A_443 = tpu.memref_squeeze %dma_wait3A_442 : memref<1x128x128xf32, #tpu.memory_space<vmem>> -> memref<128x128xf32, #tpu.memory_space<vmem>>
    tpu.wait_dma2 semaphore(%dma_wait3A_436 : memref<!tpu.dma_semaphore, #tpu.memory_space<semaphore_mem>>) src(%dma_wait3A_443 : memref<128x128xf32, #tpu.memory_space<vmem>>) dst(%dma_wait3A_439 : memref<128x128xf32, #tpu.memory_space<hbm>>)
    %dma_wait3A_444 = arith.constant 48 : i32
    %dma_wait3A_445 = arith.constant 0 : i32
    %dma_wait3A_446 = arith.constant 0 : i32
    %dma_wait3A_447 = arith.constant 0 : i32
    %dma_wait3A_448 = arith.constant 0 : i32
    %dma_wait3A_449 = tpu.memref_slice %arg6[%dma_wait3A_445, %dma_wait3A_447, %dma_wait3A_448] : memref<6x128x128xf32, #tpu.memory_space<vmem>> -> memref<1x128x128xf32, #tpu.memory_space<vmem>>
    %dma_wait3A_450 = tpu.memref_squeeze %dma_wait3A_449 : memref<1x128x128xf32, #tpu.memory_space<vmem>> -> memref<128x128xf32, #tpu.memory_space<vmem>>
    %dma_wait3A_451 = arith.constant 0 : i32
    %dma_wait3A_452 = tpu.memref_slice %arg5[%dma_wait3A_444, %dma_wait3A_451] : memref<50x128xi32, #tpu.memory_space<vmem>> -> memref<1x128xi32, #tpu.memory_space<vmem>>
    %dma_wait3A_453 = tpu.memref_squeeze %dma_wait3A_452 : memref<1x128xi32, #tpu.memory_space<vmem>> -> memref<128xi32, #tpu.memory_space<vmem>>
    %dma_wait3A_454 = arith.constant 0 : i32
    %dma_wait3A_455 = arith.constant 0 : i32
    %dma_wait3A_456 = tpu.memref_slice %arg2[%dma_wait3A_454, %dma_wait3A_455] : memref<100000x128xf32, #tpu.memory_space<hbm>> -> memref<100000x128xf32, #tpu.memory_space<hbm>>
    %dma_wait3A_457 = tpu.memref_slice %arg7[%dma_wait3A_446] : memref<6x!tpu.dma_semaphore, #tpu.memory_space<semaphore_mem>> -> memref<1x!tpu.dma_semaphore, #tpu.memory_space<semaphore_mem>>
    %dma_wait3A_458 = tpu.memref_squeeze %dma_wait3A_457 : memref<1x!tpu.dma_semaphore, #tpu.memory_space<semaphore_mem>> -> memref<!tpu.dma_semaphore, #tpu.memory_space<semaphore_mem>>
    tpu.wait_indirect_dma semaphore(%dma_wait3A_458 : memref<!tpu.dma_semaphore, #tpu.memory_space<semaphore_mem>>) src(%dma_wait3A_456 : memref<100000x128xf32, #tpu.memory_space<hbm>>) dst(%dma_wait3A_450 : memref<128x128xf32, #tpu.memory_space<vmem>>)
    %dma_start3A_459 = arith.constant 0 : i32
    %dma_start3A_460 = arith.constant 48 : i32
    %dma_start3A_461 = arith.constant 0 : i32
    %dma_start3A_462 = arith.constant 0 : i32
    %dma_start3A_463 = arith.constant 0 : i32
    %dma_start3A_464 = tpu.memref_slice %arg6[%dma_start3A_459, %dma_start3A_462, %dma_start3A_463] : memref<6x128x128xf32, #tpu.memory_space<vmem>> -> memref<1x128x128xf32, #tpu.memory_space<vmem>>
    %dma_start3A_465 = tpu.memref_squeeze %dma_start3A_464 : memref<1x128x128xf32, #tpu.memory_space<vmem>> -> memref<128x128xf32, #tpu.memory_space<vmem>>
    %dma_start3A_466 = arith.constant 0 : i32
    %dma_start3A_467 = tpu.memref_slice %arg4[%dma_start3A_460, %mul3A_2, %dma_start3A_466] : memref<50x4096x128xf32, #tpu.memory_space<hbm>> -> memref<1x128x128xf32, #tpu.memory_space<hbm>>
    %dma_start3A_468 = tpu.memref_squeeze %dma_start3A_467 : memref<1x128x128xf32, #tpu.memory_space<hbm>> -> memref<128x128xf32, #tpu.memory_space<hbm>>
    %dma_start3A_469 = tpu.memref_slice %arg8[%dma_start3A_461] : memref<6x!tpu.dma_semaphore, #tpu.memory_space<semaphore_mem>> -> memref<1x!tpu.dma_semaphore, #tpu.memory_space<semaphore_mem>>
    %dma_start3A_470 = tpu.memref_squeeze %dma_start3A_469 : memref<1x!tpu.dma_semaphore, #tpu.memory_space<semaphore_mem>> -> memref<!tpu.dma_semaphore, #tpu.memory_space<semaphore_mem>>
    %dma_start3A_471 = arith.constant 0 : i32
    %dma_start3A_472 = tpu.memref_slice %arg4[%dma_start3A_460, %mul3A_2, %dma_start3A_471] : memref<50x4096x128xf32, #tpu.memory_space<hbm>> -> memref<1x128x128xf32, #tpu.memory_space<hbm>>
    %dma_start3A_473 = tpu.memref_squeeze %dma_start3A_472 : memref<1x128x128xf32, #tpu.memory_space<hbm>> -> memref<128x128xf32, #tpu.memory_space<hbm>>
    %dma_start3A_474 = arith.constant 0 : i32
    %dma_start3A_475 = arith.constant 0 : i32
    %dma_start3A_476 = tpu.memref_slice %arg6[%dma_start3A_459, %dma_start3A_474, %dma_start3A_475] : memref<6x128x128xf32, #tpu.memory_space<vmem>> -> memref<1x128x128xf32, #tpu.memory_space<vmem>>
    %dma_start3A_477 = tpu.memref_squeeze %dma_start3A_476 : memref<1x128x128xf32, #tpu.memory_space<vmem>> -> memref<128x128xf32, #tpu.memory_space<vmem>>
    tpu.enqueue_dma source(%dma_start3A_477 : memref<128x128xf32, #tpu.memory_space<vmem>>) target(%dma_start3A_473 : memref<128x128xf32, #tpu.memory_space<hbm>>) target_semaphore(%dma_start3A_470 : memref<!tpu.dma_semaphore, #tpu.memory_space<semaphore_mem>>)
    %dma_wait3A_478 = arith.constant 0 : i32
    %dma_wait3A_479 = arith.constant 48 : i32
    %dma_wait3A_480 = arith.constant 0 : i32
    %dma_wait3A_481 = arith.constant 0 : i32
    %dma_wait3A_482 = arith.constant 0 : i32
    %dma_wait3A_483 = tpu.memref_slice %arg6[%dma_wait3A_478, %dma_wait3A_481, %dma_wait3A_482] : memref<6x128x128xf32, #tpu.memory_space<vmem>> -> memref<1x128x128xf32, #tpu.memory_space<vmem>>
    %dma_wait3A_484 = tpu.memref_squeeze %dma_wait3A_483 : memref<1x128x128xf32, #tpu.memory_space<vmem>> -> memref<128x128xf32, #tpu.memory_space<vmem>>
    %dma_wait3A_485 = arith.constant 0 : i32
    %dma_wait3A_486 = tpu.memref_slice %arg4[%dma_wait3A_479, %mul3A_2, %dma_wait3A_485] : memref<50x4096x128xf32, #tpu.memory_space<hbm>> -> memref<1x128x128xf32, #tpu.memory_space<hbm>>
    %dma_wait3A_487 = tpu.memref_squeeze %dma_wait3A_486 : memref<1x128x128xf32, #tpu.memory_space<hbm>> -> memref<128x128xf32, #tpu.memory_space<hbm>>
    %dma_wait3A_488 = tpu.memref_slice %arg8[%dma_wait3A_480] : memref<6x!tpu.dma_semaphore, #tpu.memory_space<semaphore_mem>> -> memref<1x!tpu.dma_semaphore, #tpu.memory_space<semaphore_mem>>
    %dma_wait3A_489 = tpu.memref_squeeze %dma_wait3A_488 : memref<1x!tpu.dma_semaphore, #tpu.memory_space<semaphore_mem>> -> memref<!tpu.dma_semaphore, #tpu.memory_space<semaphore_mem>>
    %dma_wait3A_490 = arith.constant 0 : i32
    %dma_wait3A_491 = tpu.memref_slice %arg4[%dma_wait3A_479, %mul3A_2, %dma_wait3A_490] : memref<50x4096x128xf32, #tpu.memory_space<hbm>> -> memref<1x128x128xf32, #tpu.memory_space<hbm>>
    %dma_wait3A_492 = tpu.memref_squeeze %dma_wait3A_491 : memref<1x128x128xf32, #tpu.memory_space<hbm>> -> memref<128x128xf32, #tpu.memory_space<hbm>>
    %dma_wait3A_493 = arith.constant 0 : i32
    %dma_wait3A_494 = arith.constant 0 : i32
    %dma_wait3A_495 = tpu.memref_slice %arg6[%dma_wait3A_478, %dma_wait3A_493, %dma_wait3A_494] : memref<6x128x128xf32, #tpu.memory_space<vmem>> -> memref<1x128x128xf32, #tpu.memory_space<vmem>>
    %dma_wait3A_496 = tpu.memref_squeeze %dma_wait3A_495 : memref<1x128x128xf32, #tpu.memory_space<vmem>> -> memref<128x128xf32, #tpu.memory_space<vmem>>
    tpu.wait_dma2 semaphore(%dma_wait3A_489 : memref<!tpu.dma_semaphore, #tpu.memory_space<semaphore_mem>>) src(%dma_wait3A_496 : memref<128x128xf32, #tpu.memory_space<vmem>>) dst(%dma_wait3A_492 : memref<128x128xf32, #tpu.memory_space<hbm>>)
    %dma_wait3A_497 = arith.constant 49 : i32
    %dma_wait3A_498 = arith.constant 1 : i32
    %dma_wait3A_499 = arith.constant 1 : i32
    %dma_wait3A_500 = arith.constant 0 : i32
    %dma_wait3A_501 = arith.constant 0 : i32
    %dma_wait3A_502 = tpu.memref_slice %arg6[%dma_wait3A_498, %dma_wait3A_500, %dma_wait3A_501] : memref<6x128x128xf32, #tpu.memory_space<vmem>> -> memref<1x128x128xf32, #tpu.memory_space<vmem>>
    %dma_wait3A_503 = tpu.memref_squeeze %dma_wait3A_502 : memref<1x128x128xf32, #tpu.memory_space<vmem>> -> memref<128x128xf32, #tpu.memory_space<vmem>>
    %dma_wait3A_504 = arith.constant 0 : i32
    %dma_wait3A_505 = tpu.memref_slice %arg5[%dma_wait3A_497, %dma_wait3A_504] : memref<50x128xi32, #tpu.memory_space<vmem>> -> memref<1x128xi32, #tpu.memory_space<vmem>>
    %dma_wait3A_506 = tpu.memref_squeeze %dma_wait3A_505 : memref<1x128xi32, #tpu.memory_space<vmem>> -> memref<128xi32, #tpu.memory_space<vmem>>
    %dma_wait3A_507 = arith.constant 0 : i32
    %dma_wait3A_508 = arith.constant 0 : i32
    %dma_wait3A_509 = tpu.memref_slice %arg2[%dma_wait3A_507, %dma_wait3A_508] : memref<100000x128xf32, #tpu.memory_space<hbm>> -> memref<100000x128xf32, #tpu.memory_space<hbm>>
    %dma_wait3A_510 = tpu.memref_slice %arg7[%dma_wait3A_499] : memref<6x!tpu.dma_semaphore, #tpu.memory_space<semaphore_mem>> -> memref<1x!tpu.dma_semaphore, #tpu.memory_space<semaphore_mem>>
    %dma_wait3A_511 = tpu.memref_squeeze %dma_wait3A_510 : memref<1x!tpu.dma_semaphore, #tpu.memory_space<semaphore_mem>> -> memref<!tpu.dma_semaphore, #tpu.memory_space<semaphore_mem>>
    tpu.wait_indirect_dma semaphore(%dma_wait3A_511 : memref<!tpu.dma_semaphore, #tpu.memory_space<semaphore_mem>>) src(%dma_wait3A_509 : memref<100000x128xf32, #tpu.memory_space<hbm>>) dst(%dma_wait3A_503 : memref<128x128xf32, #tpu.memory_space<vmem>>)
    %dma_start3A_512 = arith.constant 1 : i32
    %dma_start3A_513 = arith.constant 49 : i32
    %dma_start3A_514 = arith.constant 1 : i32
    %dma_start3A_515 = arith.constant 0 : i32
    %dma_start3A_516 = arith.constant 0 : i32
    %dma_start3A_517 = tpu.memref_slice %arg6[%dma_start3A_512, %dma_start3A_515, %dma_start3A_516] : memref<6x128x128xf32, #tpu.memory_space<vmem>> -> memref<1x128x128xf32, #tpu.memory_space<vmem>>
    %dma_start3A_518 = tpu.memref_squeeze %dma_start3A_517 : memref<1x128x128xf32, #tpu.memory_space<vmem>> -> memref<128x128xf32, #tpu.memory_space<vmem>>
    %dma_start3A_519 = arith.constant 0 : i32
    %dma_start3A_520 = tpu.memref_slice %arg4[%dma_start3A_513, %mul3A_2, %dma_start3A_519] : memref<50x4096x128xf32, #tpu.memory_space<hbm>> -> memref<1x128x128xf32, #tpu.memory_space<hbm>>
    %dma_start3A_521 = tpu.memref_squeeze %dma_start3A_520 : memref<1x128x128xf32, #tpu.memory_space<hbm>> -> memref<128x128xf32, #tpu.memory_space<hbm>>
    %dma_start3A_522 = tpu.memref_slice %arg8[%dma_start3A_514] : memref<6x!tpu.dma_semaphore, #tpu.memory_space<semaphore_mem>> -> memref<1x!tpu.dma_semaphore, #tpu.memory_space<semaphore_mem>>
    %dma_start3A_523 = tpu.memref_squeeze %dma_start3A_522 : memref<1x!tpu.dma_semaphore, #tpu.memory_space<semaphore_mem>> -> memref<!tpu.dma_semaphore, #tpu.memory_space<semaphore_mem>>
    %dma_start3A_524 = arith.constant 0 : i32
    %dma_start3A_525 = tpu.memref_slice %arg4[%dma_start3A_513, %mul3A_2, %dma_start3A_524] : memref<50x4096x128xf32, #tpu.memory_space<hbm>> -> memref<1x128x128xf32, #tpu.memory_space<hbm>>
    %dma_start3A_526 = tpu.memref_squeeze %dma_start3A_525 : memref<1x128x128xf32, #tpu.memory_space<hbm>> -> memref<128x128xf32, #tpu.memory_space<hbm>>
    %dma_start3A_527 = arith.constant 0 : i32
    %dma_start3A_528 = arith.constant 0 : i32
    %dma_start3A_529 = tpu.memref_slice %arg6[%dma_start3A_512, %dma_start3A_527, %dma_start3A_528] : memref<6x128x128xf32, #tpu.memory_space<vmem>> -> memref<1x128x128xf32, #tpu.memory_space<vmem>>
    %dma_start3A_530 = tpu.memref_squeeze %dma_start3A_529 : memref<1x128x128xf32, #tpu.memory_space<vmem>> -> memref<128x128xf32, #tpu.memory_space<vmem>>
    tpu.enqueue_dma source(%dma_start3A_530 : memref<128x128xf32, #tpu.memory_space<vmem>>) target(%dma_start3A_526 : memref<128x128xf32, #tpu.memory_space<hbm>>) target_semaphore(%dma_start3A_523 : memref<!tpu.dma_semaphore, #tpu.memory_space<semaphore_mem>>)
    %dma_wait3A_531 = arith.constant 1 : i32
    %dma_wait3A_532 = arith.constant 49 : i32
    %dma_wait3A_533 = arith.constant 1 : i32
    %dma_wait3A_534 = arith.constant 0 : i32
    %dma_wait3A_535 = arith.constant 0 : i32
    %dma_wait3A_536 = tpu.memref_slice %arg6[%dma_wait3A_531, %dma_wait3A_534, %dma_wait3A_535] : memref<6x128x128xf32, #tpu.memory_space<vmem>> -> memref<1x128x128xf32, #tpu.memory_space<vmem>>
    %dma_wait3A_537 = tpu.memref_squeeze %dma_wait3A_536 : memref<1x128x128xf32, #tpu.memory_space<vmem>> -> memref<128x128xf32, #tpu.memory_space<vmem>>
    %dma_wait3A_538 = arith.constant 0 : i32
    %dma_wait3A_539 = tpu.memref_slice %arg4[%dma_wait3A_532, %mul3A_2, %dma_wait3A_538] : memref<50x4096x128xf32, #tpu.memory_space<hbm>> -> memref<1x128x128xf32, #tpu.memory_space<hbm>>
    %dma_wait3A_540 = tpu.memref_squeeze %dma_wait3A_539 : memref<1x128x128xf32, #tpu.memory_space<hbm>> -> memref<128x128xf32, #tpu.memory_space<hbm>>
    %dma_wait3A_541 = tpu.memref_slice %arg8[%dma_wait3A_533] : memref<6x!tpu.dma_semaphore, #tpu.memory_space<semaphore_mem>> -> memref<1x!tpu.dma_semaphore, #tpu.memory_space<semaphore_mem>>
    %dma_wait3A_542 = tpu.memref_squeeze %dma_wait3A_541 : memref<1x!tpu.dma_semaphore, #tpu.memory_space<semaphore_mem>> -> memref<!tpu.dma_semaphore, #tpu.memory_space<semaphore_mem>>
    %dma_wait3A_543 = arith.constant 0 : i32
    %dma_wait3A_544 = tpu.memref_slice %arg4[%dma_wait3A_532, %mul3A_2, %dma_wait3A_543] : memref<50x4096x128xf32, #tpu.memory_space<hbm>> -> memref<1x128x128xf32, #tpu.memory_space<hbm>>
    %dma_wait3A_545 = tpu.memref_squeeze %dma_wait3A_544 : memref<1x128x128xf32, #tpu.memory_space<hbm>> -> memref<128x128xf32, #tpu.memory_space<hbm>>
    %dma_wait3A_546 = arith.constant 0 : i32
    %dma_wait3A_547 = arith.constant 0 : i32
    %dma_wait3A_548 = tpu.memref_slice %arg6[%dma_wait3A_531, %dma_wait3A_546, %dma_wait3A_547] : memref<6x128x128xf32, #tpu.memory_space<vmem>> -> memref<1x128x128xf32, #tpu.memory_space<vmem>>
    %dma_wait3A_549 = tpu.memref_squeeze %dma_wait3A_548 : memref<1x128x128xf32, #tpu.memory_space<vmem>> -> memref<128x128xf32, #tpu.memory_space<vmem>>
    tpu.wait_dma2 semaphore(%dma_wait3A_542 : memref<!tpu.dma_semaphore, #tpu.memory_space<semaphore_mem>>) src(%dma_wait3A_549 : memref<128x128xf32, #tpu.memory_space<vmem>>) dst(%dma_wait3A_545 : memref<128x128xf32, #tpu.memory_space<hbm>>)
    return
  }
}

</mosaic_0001>

<sc_bundles>
// kernel: kernel.3.cloned.1.call-start
scs
__scs_entry_jumppad:
0x0: {  	(pc) =	sbr.rel $0x88, $3  }
0x1: {  	(tag) =	ssettag $0x0;
	lr =	simm.s32 $0x1  }
0x2: {  	[smem:$0x3F9F] =	sst lr;
	_ =	strace $0xD0000000  }
0x3: {  	_ = 	snop  }
0x4: {  	_ = 	snop  }
0x5: {  	_ = 	snop  }
0x6: {  	_ = 	snop  }
0x7: {  	_ = 	snop  }
__scs_overlays_trampoline_lowered:
0x8: {  	[smem:$0x3FAE] =	sst s0  }
0x9: {  	[smem:$0x3FAF] =	sst s1  }
0xa: {  	[smem:$0x3FB0] =	sst s2  }
0xb: {  	[smem:$0x3FB1] =	sst s3  }
0xc: {  	[smem:$0x3FB2] =	sst s4  }
0xd: {  	[smem:$0x3FB3] =	sst s5  }
0xe: {  	[smem:$0x3FB4] =	sst s6  }
0xf: {  	[smem:$0x3FB5] =	sst s7  }
0x10: {  	[smem:$0x3FB6] =	sst s8  }
0x11: {  	[smem:$0x3FB7] =	sst s9;
	s0 =	simm.s32 @!p0 $0x0  }
0x12: {  	s1 =	sld [smem:$0x3F9D];
	s0 =	simm.s32 @p0 $0x1  }
0x13: {  	[smem:$0x3FB8] =	sst s0;
	s0 =	simm.s32 @!p1 $0x0  }
0x14: {  	s2 =	sld [smem:$0x3F9C];
	s0 =	simm.s32 @p1 $0x1  }
0x15: {  	[smem:$0x3FB9] =	sst s0;
	s0 =	simm.s32 @!p2 $0x0  }
0x16: {  	s3 =	sld [smem:$0x3FDB];
	s0 =	simm.s32 @p2 $0x1  }
0x17: {  	s4 =	simm.s32 $0x1BF5;
	[smem:$0x3FBB] =	sst s0  }
0x18: {  	s0 =	sld [smem:$0x3F9E];
	_ =	swait.ge [sflag:s4], $0x0  }
0x19: {  	s7 =	sld [smem:$0x3F9F]  }
0x1a: {  	s8 =	sadd.s32 $0xFFFFE003, lr  }
0x1b: {  	s9 =	sadd.s32 $0xFFFFFEF7, lr;
	s5 =	simm.s32 $0xFFFFFFFF;
	p2 =	slt.u32 s8, $0xFFFFF086  }
0x1c: {  	p1 =	slt.u32 s9, $0xF7A;
	s5 =	simm.s32 @!p2 $0x0  }
0x1d: {  	s5 =	simm.s32 @p1 $0x1;
	p0 =	seq.s32 s7, s2  }
0x1e: {  	s7 =	smul.u32 @!p0 $0xF7A, s2;
	p2 =	seq.s32 @!p0 s5, $0x0  }
0x1f: {  	s9 =	smul.u32 $0xF7A, s1;
	s8 =	simm.s32 @!p0 $0x1BF5;
	p2 =	por !p2, p0  }
0x20: {  	[sflag:s8] =	ssyncset.s32 @!p0 $0xFFFFF086;
	s6 =	sadd.s32 @!p0 s3, s7;
	s7 =	simm.s32 @!p0 $0x108  }
0x21: {  	s3 =	sadd.s32 s3, s9;
	s6 =	sadd.s32 @!p0 $0x88, s6;
	s7 =	simm.s32 @p2 $0x1082  }
0x22: {  	[simem:s7], [sflag:s8] =	dma.local @!p0 [hbm:s6], $0xF7A  }
0x23: {  	s9 =	sor.u32 $0xD0000000, s2;
	s6 =	simm.s32 $0x108;
	_ =	swait.ge @!p0 [sflag:s8], $0x0  }
0x24: {  	s3 =	sadd.s32 $0x88, s3;
	s6 =	simm.s32 @!p1 $0x1082;
	[sflag:s4] =	ssyncset.s32 $0xFFFFF086  }
0x25: {  	[simem:s6], [sflag:s4] =	dma.local [hbm:s3], $0xF7A  }
0x26: {  	[smem:$0x3F9F] =	sst s1;
	(tag) =	ssettag s2;
	_ =	strace s9  }
0x27: {  	s1 =	sld [smem:$0x3FAF]  }
0x28: {  	s2 =	sld [smem:$0x3FB0]  }
0x29: {  	s4 =	sld [smem:$0x3FB2]  }
0x2a: {  	p0 =	seq.s32 s5, $0x0;
	s5 =	sld [smem:$0x3FB3]  }
0x2b: {  	s6 =	sld [smem:$0x3FB4]  }
0x2c: {  	s7 =	sld [smem:$0x3FB5]  }
0x2d: {  	s3 =	simm.s32 $0x108;
	s8 =	sld [smem:$0x3FB6]  }
0x2e: {  	s3 =	simm.s32 @!p0 $0x1082;
	s9 =	sld [smem:$0x3FB7]  }
0x2f: {  	lr =	sadd.s32 s0, s3;
	s0 =	sld [smem:$0x3FAE]  }
0x30: {  	s3 =	sld [smem:$0x3FB1]  }
0x31: {  	[smem:$0x3FBA] =	sst s10  }
0x32: {  	s10 =	sld [smem:$0x3FB8];
	_ =	sdelay $0x3  }
0x33: {  	p0 =	seq.s32 s10, $0x1;
	s10 =	sld [smem:$0x3FBA];
	_ =	sdelay $0x3  }
0x34: {  	[smem:$0x3FBA] =	sst s10  }
0x35: {  	s10 =	sld [smem:$0x3FB9];
	_ =	sdelay $0x3  }
0x36: {  	p1 =	seq.s32 s10, $0x1;
	s10 =	sld [smem:$0x3FBA];
	_ =	sdelay $0x3  }
0x37: {  	[smem:$0x3FBA] =	sst s10  }
0x38: {  	s10 =	sld [smem:$0x3FBB]  }
0x39: {  	_ = 	snop;
	(pc) =	sbr.ind lr, $3  }
0x3a: {  	_ = 	snop  }
0x3b: {  	_ = 	snop  }
0x3c: {  	p2 =	seq.s32 s10, $0x1;
	s10 =	sld [smem:$0x3FBA]  }
0x3d: {  	_ =	shalt  }
0x3e: {  	_ =	shalt  }
0x3f: {  	_ =	shalt  }
0x40: {  	_ =	shalt  }
0x41: {  	_ =	shalt  }
0x42: {  	_ =	shalt  }
0x43: {  	_ =	shalt  }
0x44: {  	_ =	shalt  }
0x45: {  	_ =	shalt  }
0x46: {  	_ =	shalt  }
0x47: {  	_ =	shalt  }
0x48: {  	_ =	shalt  }
0x49: {  	_ =	shalt  }
0x4a: {  	_ =	shalt  }
0x4b: {  	_ =	shalt  }
0x4c: {  	_ =	shalt  }
0x4d: {  	_ =	shalt  }
0x4e: {  	_ =	shalt  }
0x4f: {  	_ =	shalt  }
0x50: {  	_ =	shalt  }
0x51: {  	_ =	shalt  }
0x52: {  	_ =	shalt  }
0x53: {  	_ =	shalt  }
0x54: {  	_ =	shalt  }
0x55: {  	_ =	shalt  }
0x56: {  	_ =	shalt  }
0x57: {  	_ =	shalt  }
0x58: {  	_ =	shalt  }
0x59: {  	_ =	shalt  }
0x5a: {  	_ =	shalt  }
0x5b: {  	_ =	shalt  }
0x5c: {  	_ =	shalt  }
0x5d: {  	_ =	shalt  }
0x5e: {  	_ =	shalt  }
0x5f: {  	_ =	shalt  }
0x60: {  	_ =	shalt  }
0x61: {  	_ =	shalt  }
0x62: {  	_ =	shalt  }
0x63: {  	_ =	shalt  }
0x64: {  	_ =	shalt  }
0x65: {  	_ =	shalt  }
0x66: {  	_ =	shalt  }
0x67: {  	_ =	shalt  }
0x68: {  	_ =	shalt  }
0x69: {  	_ =	shalt  }
0x6a: {  	_ =	shalt  }
0x6b: {  	_ =	shalt  }
0x6c: {  	_ =	shalt  }
0x6d: {  	_ =	shalt  }
0x6e: {  	_ =	shalt  }
0x6f: {  	_ =	shalt  }
0x70: {  	_ =	shalt  }
0x71: {  	_ =	shalt  }
0x72: {  	_ =	shalt  }
0x73: {  	_ =	shalt  }
0x74: {  	_ =	shalt  }
0x75: {  	_ =	shalt  }
0x76: {  	_ =	shalt  }
0x77: {  	_ =	shalt  }
0x78: {  	_ =	shalt  }
0x79: {  	_ =	shalt  }
0x7a: {  	_ =	shalt  }
0x7b: {  	_ =	shalt  }
0x7c: {  	_ =	shalt  }
0x7d: {  	_ =	shalt  }
0x7e: {  	_ =	shalt  }
0x7f: {  	_ =	shalt  }
0x80: {  	_ =	shalt  }
0x81: {  	_ =	shalt  }
0x82: {  	_ =	shalt  }
0x83: {  	_ =	shalt  }
0x84: {  	_ =	shalt  }
0x85: {  	_ =	shalt  }
0x86: {  	_ =	shalt  }
0x87: {  	_ =	shalt  }
.Lfunc_end0:
.L_simem_size_0:
called_computation_lowered:
.L_overlay_start_0:
0x88: {  	s2 =	sld [smem:$0x3FD9]  }
0x89: {  	s3 =	sld [smem:$0x3FFE];
	_ =	sdelay $0x1  }
0x8a: {  	s1 =	srdreg.scid  }
0x8b: {  	s0 =	sand.u32 $0x1, s1  }
0x8c: {  	s18 =	sshll.u32 s0, $0xA;
	s2 =	sadd.s32 s3, s2  }
0x8d: {  	s2 =	sadd.s32 s2, s18  }
0x8e: {  	[smem:$0x3FC6] =	sst s2  }
0x8f: {  	_ = 	snop  }
0x90: {  	s2 =	sld [smem:$0x3FC9]  }
0x91: {  	s19 =	sld [smem:$0x3FC8]  }
0x92: {  	s4 =	sld [smem:$0x3FD0];
	(tm) =	ssettm $0x1  }
0x93: {  	s5 =	sld [smem:$0x3FFB];
	_ =	sdelay $0x3  }
0x94: {  	_ =	strace s5  }
0x95: {  	s5 =	sld [smem:$0x3FFC];
	_ =	sdelay $0x3  }
0x96: {  	_ =	strace s5  }
0x97: {  	s5 =	sld [smem:$0x3FFD];
	_ =	sdelay $0x3  }
0x98: {  	_ =	strace s5  }
0x99: {  	_ =	strace $0x8FFFFFFF  }
0x9a: {  	s20 =	sld [smem:$0x3FDB];
	_ =	sdelay $0x1  }
0x9b: {  	s6 =	simm.s32 $_scs_section_size  }
0x9c: {  	s7 =	simm.s32 $_size__tile_overlayer_lowered;
	s8 =	simm.s32 $_tile_overlayer_lowered  }
0x9d: {  	s23 =	simm.s32 $0x1BFF;
	s22 =	sshll.u32 s8, $0x1;
	s5 =	sadd.s32 s6, s20  }
0x9e: {  	s9 =	simm.s32 $0x0;
	s21 =	sshll.u32 s7, $0x1;
	s7 =	sadd.s32 s22, s5  }
0x9f: {  	[timem:s9], [sflag:s23] =	dma.local [hbm:s7], s21  }
0xa0: {  	_ =	swait.ge [sflag:s23], s21  }
0xa1: {  	s6 =	ssub.s32 $0x0, s21;
	[sflag:s23] =	ssyncset.done $0x0  }
0xa2: {  	[sflag:s23] =	ssyncadd.s32 s6;
	_ =	sdelay $0x1  }
0xa3: {  	s24 =	simm.s32 $0x1B8B  }
0xa4: {  	_ =	swait.ge [sflag:s24], $0x1  }
0xa5: {  	[sflag:s24] =	ssyncset.done $0x0  }
0xa6: {  	s25 =	simm.s32 $0x1B8E;
	[sflag:s24] =	ssyncadd.s32 $0xFFFFFFFF  }
0xa7: {  	s26 =	simm.s32 $execute0_lowered;
	[smem:$0x3FD2] =	sst s25  }
0xa8: {  	s6 =	sshll.u32 s26, $0x1;
	_ =	strace $0x80000046;
	[dreg:$0x1] =	wrdreg $0xFFFFFFFF  }
0xa9: {  	s28 =	simm.s32 $_size_execute0_lowered;
	s5 =	sadd.s32 s5, s6;
	[dreg:$0x0] =	wrdreg $0x0  }
0xaa: {  	s6 =	sshll.u32 s28, $0x1;
	[dreg:$0x2] =	wrdreg s5  }
0xab: {  	[dreg:$0x3] =	wrdreg s6  }
0xac: {  	[dreg:$0x4] =	wrdreg $0xC0  }
0xad: {  	_ =	task [dreg:s9], $0x5FFFF  }
0xae: {  	[dreg:$0x1] =	wrdreg $0xFFFFFFFF  }
0xaf: {  	[dreg:$0x0] =	wrdreg $0x60  }
0xb0: {  	[dreg:$0x2] =	wrdreg s19  }
0xb1: {  	[dreg:$0x3] =	wrdreg s2  }
0xb2: {  	[dreg:$0x4] =	wrdreg s4  }
0xb3: {  	[dreg:$0x5] =	wrdreg $0x9  }
0xb4: {  	_ =	task.clear_ibuf [dreg:s9], $0x6FFFF;
	_ =	strace $0x90000046  }
0xb5: {  	s29 =	simm.s32 $0x9;
	_ =	strace $0x80000048  }
0xb6: {  	_ =	swait.ge [sflag:s29], $0x1  }
0xb7: {  	[sflag:s29] =	ssyncadd.s32 $0xFFFFFFFF  }
0xb8: {  	_ =	strace $0x90000048  }
0xb9: {  	_ =	sfence  }
0xba: {  	s30 =	sld [smem:$0x0];
	_ =	sdelay $0x2  }
0xbb: {  	s31 =	sshll.u32 s1, $0xD;
	s1 =	sshrl.u32 s1, $0x2  }
0xbc: {  	s3 =	sand.u32 $0x4000, s31;
	s1 =	sadd.s32 s1, s30  }
0xbd: {  	s0 =	sor.u32 s3, s0;
	s1 =	sshll.u32 s1, $0x11  }
0xbe: {  	s0 =	sor.u32 s1, s0  }
0xbf: {  	s0 =	sadd.s32 $0x8F2B, s0  }
0xc0: {  	[sflag:s0] =	ssyncadd.remote.s32 $0x1  }
0xc1: {  	_ =	sfence.sel $0xFFFF  }
0xc2: {  	[dreg:$0x0] =	wrdreg $0xFFFFFFFF;
	(pc) =	sbr.abs _section_cstart, $3  }
0xc3: {  	[dreg:$0x1] =	wrdreg $0xFFFFFFFF  }
0xc4: {  	_ =	task.clear_ibuf [dreg:s9], $0x2FFFF;
	_ =	strace $0x9FFFFFFF  }
0xc5: {  	(tm) =	ssettm $0x7FFFFFFF  }
tec
execute0_lowered:
.L_overlay_start_1:
0x0: {  	(tag) =	ssettag $0x1  }
0x1: {  	s1 =	rddreg [dreg:$0x0]  }
0x2: {  	s0 =	rddreg [dreg:$0x1]  }
0x3: {  	s28 =	rddreg [dreg:$0x2];
	s2 =	srdreg.scid  }
0x4: {  	s3 =	stileid.u32;
	s4 =	simm.s32 $0x0;
	s31 =	simm.s32 $0x9C00  }
0x5: {  	s30 =	simm.s32 $0x7;
	s2 =	sand.u32 $0x1, s2;
	s5 =	sshll.u32 s3, $0x8  }
0x6: {  	[smem:$0x7FF] =	sst s4;
	s14 =	sshll.u32 s3, $0xF;
	s6 =	sshll.u32 s2, $0x7  }
0x7: {  	s7 =	ssub.s32 $0x2, s2;
	_ =	strace $0x80000047;
	s5 =	sor.u32 s6, s5  }
0x8: {  	s2 =	sshll.u32 s2, $0xE;
	s9 =	sshrl.u32 s7, $0x1;
	s0 =	sadd.s32 s0, s5  }
0x9: {  	s8 =	sshll.u32 s5, $0x4;
	[dreg:$0x4] =	wrdreg s0;
	s0 =	sadd.s32 $0x6000, s0  }
0xa: {  	s6 =	ssub.s32 s7, s9;
	s10 =	sadd.s32 s28, s8;
	[dreg:$0x6] =	wrdreg s0  }
0xb: {  	s7 =	simm.s32 $0x2;
	s21 =	smax.u32 s6, $0x1;
	[dreg:$0x5] =	wrdreg s10  }
0xc: {  	s9 =	simm.s32 $0x3;
	s11 =	sadd.s32 $0x2B0000, s10;
	[dreg:$0xe] =	wrdreg s21  }
0xd: {  	s8 =	simm.s32 $0x8;
	s12 =	sadd.s32 $0x2C0000, s10;
	[dreg:$0x7] =	wrdreg s11  }
0xe: {  	s13 =	sadd.s32 $0x2D0000, s10;
	s15 =	sadd.s32 $0x2E0000, s10;
	[dreg:$0x8] =	wrdreg s12  }
0xf: {  	s16 =	sadd.s32 $0x2F0000, s10;
	s0 =	sor.u32 s2, s14;
	[dreg:$0x9] =	wrdreg s13  }
0x10: {  	s17 =	sadd.s32 $0x300000, s10;
	s20 =	sadd.s32 $0x310000, s10;
	[dreg:$0xa] =	wrdreg s15  }
0x11: {  	s10 =	simm.s32 $0x9;
	s14 =	simm.s32 $0x6;
	[dreg:$0xb] =	wrdreg s16  }
0x12: {  	[dreg:$0xc] =	wrdreg s17;
	s18 =	sor.u32 $0x280000, s0;
	s19 =	sor.u32 $0x200000, s0  }
0x13: {  	[dreg:$0xd] =	wrdreg s20;
	s23 =	sor.u32 $0x180000, s0;
	s24 =	sor.u32 $0x100000, s0  }
0x14: {  	s25 =	sshrl.u32 s0, $0x3;
	s0 =	sor.u32 $0x300000, s0;
	s17 =	simm.s32 $0x1800  }
0x15: {  	s11 =	simm.s32 $0x4;
	s12 =	simm.s32 $0xA;
	s13 =	simm.s32 $0xB  }
0x16: {  	s15 =	simm.s32 $0xC;
	s2 =	sshrl.u32 s18, $0x3;
	s5 =	sshrl.u32 s19, $0x3  }
0x17: {  	s6 =	sadd.s32 s25, s28;
	[dreg:$0x14] =	wrdreg s0;
	s0 =	simm.s32 $0x15C00  }
0x18: {  	s2 =	sadd.s32 s2, s28;
	s22 =	sadd.s32 s5, s28;
	s5 =	sshrl.u32 s24, $0x3  }
0x19: {  	s29 =	sadd.s32 $0x10000, s6;
	s6 =	simm.s32 $0x0;
	[dreg:$0xf] =	wrdreg s2  }
0x1a: {  	[dreg:$0x10] =	wrdreg s22;
	s2 =	sshrl.u32 s23, $0x3;
	s26 =	sadd.s32 s5, s28  }
0x1b: {  	[dreg:$0x13] =	wrdreg s29;
	s23 =	simm.s32 $0x11C00;
	s22 =	simm.s32 $0x1  }
0x1c: {  	s5 =	simm.s32 $0x5;
	s2 =	sadd.s32 s2, s28;
	[dreg:$0x12] =	wrdreg s26  }
0x1d: {  	s26 =	simm.s32 $0x80;
	[dreg:$0x11] =	wrdreg s2;
	s2 =	simm.s32 $0xDC00  }
.LBB2_1:
0x1e: {  	[dreg:$0x15] =	wrdreg s6  }
0x1f: {  	s3 =	rddreg [dreg:$0x4];
	s24 =	simm.s32 $0x400;
	s16 =	simm.s32 $0x8000  }
0x20: {  	[tilespmem:s4], [sflag:$0xD] =	stream.strided.gather [hbm4b:s3+s24], $0x1800, s16, s24, $0x38;
	[tilespmem:$0x19C00] =	vst v63  }
0x21: {  	s25 =	rddreg [dreg:$0x6];
	s29 =	simm.s32 $0xD  }
0x22: {  	[tilespmem:s17], [sflag:$0xD] =	stream.linear.gather [hbm4b:s25+s4], $0x100, $0x38;
	[tilespmem:$0x19C00] =	vst v63  }
0x23: {  	_ =	swait.ge [sflag:s29], $0x1900  }
0x24: {  	[sflag:s29] =	ssyncset.done $0x0  }
0x25: {  	s6 =	simm.s32 $0x1C00;
	[sflag:s29] =	ssyncadd.s32 $0xFFFFE700  }
0x26: {  	[tilespmem:s6], [sflag:$0x1] =	stream.indirect.gather [hbm4b:s1+s26], $0x80, s4, s26, $0xb8;
	[tilespmem:$0x19C00] =	vst v63  }
0x27: {  	s17 =	simm.s32 $0x5C00  }
0x28: {  	[tilespmem:s17], [sflag:$0x2] =	stream.indirect.gather [hbm4b:s1+s26], $0x80, s26, s26, $0xb8;
	[tilespmem:$0x19C00] =	vst v63  }
0x29: {  	s18 =	simm.s32 $0x100  }
0x2a: {  	[tilespmem:s31], [sflag:$0x3] =	stream.indirect.gather [hbm4b:s1+s26], $0x80, s18, s26, $0xb8;
	[tilespmem:$0x19C00] =	vst v63  }
0x2b: {  	s19 =	simm.s32 $0x180  }
0x2c: {  	[tilespmem:s2], [sflag:$0x4] =	stream.indirect.gather [hbm4b:s1+s26], $0x80, s19, s26, $0xb8;
	[tilespmem:$0x19C00] =	vst v63  }
0x2d: {  	s20 =	simm.s32 $0x200  }
0x2e: {  	[tilespmem:s23], [sflag:$0x5] =	stream.indirect.gather [hbm4b:s1+s26], $0x80, s20, s26, $0xb8;
	[tilespmem:$0x19C00] =	vst v63  }
0x2f: {  	s21 =	simm.s32 $0x280  }
0x30: {  	[tilespmem:s0], [sflag:$0x6] =	stream.indirect.gather [hbm4b:s1+s26], $0x80, s21, s26, $0xb8;
	[tilespmem:$0x19C00] =	vst v63  }
0x31: {  	_ =	swait.ge [sflag:s22], $0x4000  }
0x32: {  	[sflag:s22] =	ssyncset.done $0x0  }
0x33: {  	s24 =	rddreg [dreg:$0x5];
	[sflag:s22] =	ssyncadd.s32 $0xFFFFC000  }
0x34: {  	[hbm4b:s24+s4] =	stream.linear.scatter [tilespmem:s6], [sflag:$0x7], $0x4000, $0x38;
	[tilespmem:$0x19C00] =	vst v63  }
0x35: {  	_ =	swait.ge [sflag:s30], $0x4000  }
0x36: {  	[sflag:s30] =	ssyncset.done $0x0  }
0x37: {  	s25 =	simm.s32 $0x300;
	[sflag:s30] =	ssyncadd.s32 $0xFFFFC000  }
0x38: {  	[tilespmem:s6], [sflag:$0x1] =	stream.indirect.gather [hbm4b:s1+s26], $0x80, s25, s26, $0xb8;
	[tilespmem:$0x19C00] =	vst v63  }
0x39: {  	_ =	swait.ge [sflag:s7], $0x4000  }
0x3a: {  	[sflag:s7] =	ssyncset.done $0x0  }
0x3b: {  	s29 =	rddreg [dreg:$0x13];
	[sflag:s7] =	ssyncadd.s32 $0xFFFFC000  }
0x3c: {  	[hbm4b:s29+s4] =	stream.linear.scatter [tilespmem:s17], [sflag:$0x8], $0x4000, $0x38;
	[tilespmem:$0x19C00] =	vst v63  }
0x3d: {  	_ =	swait.ge [sflag:s8], $0x4000  }
0x3e: {  	[sflag:s8] =	ssyncset.done $0x0  }
0x3f: {  	s3 =	simm.s32 $0x380;
	[sflag:s8] =	ssyncadd.s32 $0xFFFFC000  }
0x40: {  	[tilespmem:s17], [sflag:$0x2] =	stream.indirect.gather [hbm4b:s1+s26], $0x80, s3, s26, $0xb8;
	[tilespmem:$0x19C00] =	vst v63  }
0x41: {  	_ =	swait.ge [sflag:s9], $0x4000  }
0x42: {  	[sflag:s9] =	ssyncset.done $0x0  }
0x43: {  	s20 =	rddreg [dreg:$0x12];
	[sflag:s9] =	ssyncadd.s32 $0xFFFFC000  }
0x44: {  	[hbm4b:s20+s4] =	stream.linear.scatter [tilespmem:s31], [sflag:$0x9], $0x4000, $0x38;
	[tilespmem:$0x19C00] =	vst v63  }
0x45: {  	_ =	swait.ge [sflag:s10], $0x4000  }
0x46: {  	[sflag:s10] =	ssyncset.done $0x0  }
0x47: {  	s18 =	simm.s32 $0x400;
	[sflag:s10] =	ssyncadd.s32 $0xFFFFC000  }
0x48: {  	[tilespmem:s31], [sflag:$0x3] =	stream.indirect.gather [hbm4b:s1+s26], $0x80, s18, s26, $0xb8;
	[tilespmem:$0x19C00] =	vst v63  }
0x49: {  	_ =	swait.ge [sflag:s11], $0x4000  }
0x4a: {  	[sflag:s11] =	ssyncset.done $0x0  }
0x4b: {  	s18 =	rddreg [dreg:$0x11];
	[sflag:s11] =	ssyncadd.s32 $0xFFFFC000  }
0x4c: {  	[hbm4b:s18+s4] =	stream.linear.scatter [tilespmem:s2], [sflag:$0xA], $0x4000, $0x38;
	[tilespmem:$0x19C00] =	vst v63  }
0x4d: {  	_ =	swait.ge [sflag:s12], $0x4000  }
0x4e: {  	[sflag:s12] =	ssyncset.done $0x0  }
0x4f: {  	s19 =	simm.s32 $0x480;
	[sflag:s12] =	ssyncadd.s32 $0xFFFFC000  }
0x50: {  	[tilespmem:s2], [sflag:$0x4] =	stream.indirect.gather [hbm4b:s1+s26], $0x80, s19, s26, $0xb8;
	[tilespmem:$0x19C00] =	vst v63  }
0x51: {  	_ =	swait.ge [sflag:s5], $0x4000  }
0x52: {  	[sflag:s5] =	ssyncset.done $0x0  }
0x53: {  	s19 =	rddreg [dreg:$0x10];
	[sflag:s5] =	ssyncadd.s32 $0xFFFFC000  }
0x54: {  	[hbm4b:s19+s4] =	stream.linear.scatter [tilespmem:s23], [sflag:$0xB], $0x4000, $0x38;
	[tilespmem:$0x19C00] =	vst v63  }
0x55: {  	_ =	swait.ge [sflag:s13], $0x4000  }
0x56: {  	[sflag:s13] =	ssyncset.done $0x0  }
0x57: {  	s21 =	simm.s32 $0x500;
	[sflag:s13] =	ssyncadd.s32 $0xFFFFC000  }
0x58: {  	[tilespmem:s23], [sflag:$0x5] =	stream.indirect.gather [hbm4b:s1+s26], $0x80, s21, s26, $0xb8;
	[tilespmem:$0x19C00] =	vst v63  }
0x59: {  	_ =	swait.ge [sflag:s14], $0x4000  }
0x5a: {  	[sflag:s14] =	ssyncset.done $0x0  }
0x5b: {  	s3 =	rddreg [dreg:$0xf];
	[sflag:s14] =	ssyncadd.s32 $0xFFFFC000  }
0x5c: {  	[hbm4b:s3+s4] =	stream.linear.scatter [tilespmem:s0], [sflag:$0xC], $0x4000, $0x38;
	[tilespmem:$0x19C00] =	vst v63  }
0x5d: {  	s24 =	simm.s32 $0x580;
	_ =	swait.ge [sflag:s15], $0x4000  }
0x5e: {  	s6 =	simm.s32 $0xC00;
	s25 =	sadd.s32 $0x60000, s29;
	[sflag:s15] =	ssyncset.done $0x0  }
0x5f: {  	s17 =	sadd.s32 $0x60000, s18;
	s18 =	sadd.s32 $0x60000, s20;
	[sflag:s15] =	ssyncadd.s32 $0xFFFFC000  }
0x60: {  	[tilespmem:s0], [sflag:$0x6] =	stream.indirect.gather [hbm4b:s1+s26], $0x80, s24, s26, $0xb8;
	[tilespmem:$0x19C00] =	vst v63  }
0x61: {  	s19 =	sadd.s32 $0x60000, s19;
	s21 =	rddreg [dreg:$0x14];
	_ =	swait.ge [sflag:s22], $0x4000  }
0x62: {  	s20 =	sadd.s32 $0x60000, s3;
	s29 =	sshrl.u32 s21, $0x3;
	[sflag:s22] =	ssyncset.done $0x0  }
0x63: {  	s16 =	sadd.s32 $0x300000, s21;
	s21 =	sadd.s32 s28, s29;
	[sflag:s22] =	ssyncadd.s32 $0xFFFFC000  }
.LBB2_2:
0x64: {  	s29 =	simm.s32 $0x1C00  }
0x65: {  	[hbm4b:s21+s4] =	stream.linear.scatter [tilespmem:s29], [sflag:$0x7], $0x4000, $0x38;
	[tilespmem:$0x19C00] =	vst v63  }
0x66: {  	s24 =	smov.u32 s6;
	s21 =	smov.u32 s16  }
0x67: {  	p0 =	sne.s32 s6, $0x4800;
	s6 =	sadd.s32 $0xC00, s6;
	_ =	swait.ge [sflag:s30], $0x4000  }
0x68: {  	s24 =	sshra.s32 s24, $0x2;
	[sflag:s30] =	ssyncset.done $0x0  }
0x69: {  	s3 =	sadd.s32 $0x300, s24;
	[sflag:s30] =	ssyncadd.s32 $0xFFFFC000  }
0x6a: {  	[tilespmem:s29], [sflag:$0x1] =	stream.indirect.gather [hbm4b:s1+s26], $0x80, s3, s26, $0xb8;
	[tilespmem:$0x19C00] =	vst v63  }
0x6b: {  	_ =	swait.ge [sflag:s7], $0x4000  }
0x6c: {  	[sflag:s7] =	ssyncset.done $0x0  }
0x6d: {  	s29 =	simm.s32 $0x5C00;
	[sflag:s7] =	ssyncadd.s32 $0xFFFFC000  }
0x6e: {  	[hbm4b:s25+s4] =	stream.linear.scatter [tilespmem:s29], [sflag:$0x8], $0x4000, $0x38;
	[tilespmem:$0x19C00] =	vst v63  }
0x6f: {  	_ =	swait.ge [sflag:s8], $0x4000  }
0x70: {  	[sflag:s8] =	ssyncset.done $0x0  }
0x71: {  	s3 =	sadd.s32 $0x380, s24;
	[sflag:s8] =	ssyncadd.s32 $0xFFFFC000  }
0x72: {  	[tilespmem:s29], [sflag:$0x2] =	stream.indirect.gather [hbm4b:s1+s26], $0x80, s3, s26, $0xb8;
	[tilespmem:$0x19C00] =	vst v63  }
0x73: {  	_ =	swait.ge [sflag:s9], $0x4000  }
0x74: {  	[sflag:s9] =	ssyncset.done $0x0  }
0x75: {  	[sflag:s9] =	ssyncadd.s32 $0xFFFFC000  }
0x76: {  	[hbm4b:s18+s4] =	stream.linear.scatter [tilespmem:s31], [sflag:$0x9], $0x4000, $0x38;
	[tilespmem:$0x19C00] =	vst v63  }
0x77: {  	_ =	swait.ge [sflag:s10], $0x4000  }
0x78: {  	[sflag:s10] =	ssyncset.done $0x0  }
0x79: {  	s3 =	sadd.s32 $0x400, s24;
	[sflag:s10] =	ssyncadd.s32 $0xFFFFC000  }
0x7a: {  	[tilespmem:s31], [sflag:$0x3] =	stream.indirect.gather [hbm4b:s1+s26], $0x80, s3, s26, $0xb8;
	[tilespmem:$0x19C00] =	vst v63  }
0x7b: {  	_ =	swait.ge [sflag:s11], $0x4000  }
0x7c: {  	[sflag:s11] =	ssyncset.done $0x0  }
0x7d: {  	[sflag:s11] =	ssyncadd.s32 $0xFFFFC000  }
0x7e: {  	[hbm4b:s17+s4] =	stream.linear.scatter [tilespmem:s2], [sflag:$0xA], $0x4000, $0x38;
	[tilespmem:$0x19C00] =	vst v63  }
0x7f: {  	_ =	swait.ge [sflag:s12], $0x4000  }
0x80: {  	[sflag:s12] =	ssyncset.done $0x0  }
0x81: {  	s3 =	sadd.s32 $0x480, s24;
	[sflag:s12] =	ssyncadd.s32 $0xFFFFC000  }
0x82: {  	[tilespmem:s2], [sflag:$0x4] =	stream.indirect.gather [hbm4b:s1+s26], $0x80, s3, s26, $0xb8;
	[tilespmem:$0x19C00] =	vst v63  }
0x83: {  	_ =	swait.ge [sflag:s5], $0x4000  }
0x84: {  	[sflag:s5] =	ssyncset.done $0x0  }
0x85: {  	[sflag:s5] =	ssyncadd.s32 $0xFFFFC000  }
0x86: {  	[hbm4b:s19+s4] =	stream.linear.scatter [tilespmem:s23], [sflag:$0xB], $0x4000, $0x38;
	[tilespmem:$0x19C00] =	vst v63  }
0x87: {  	_ =	swait.ge [sflag:s13], $0x4000  }
0x88: {  	[sflag:s13] =	ssyncset.done $0x0  }
0x89: {  	s3 =	sadd.s32 $0x500, s24;
	[sflag:s13] =	ssyncadd.s32 $0xFFFFC000  }
0x8a: {  	[tilespmem:s23], [sflag:$0x5] =	stream.indirect.gather [hbm4b:s1+s26], $0x80, s3, s26, $0xb8;
	[tilespmem:$0x19C00] =	vst v63  }
0x8b: {  	_ =	swait.ge [sflag:s14], $0x4000  }
0x8c: {  	[sflag:s14] =	ssyncset.done $0x0  }
0x8d: {  	[sflag:s14] =	ssyncadd.s32 $0xFFFFC000  }
0x8e: {  	[hbm4b:s20+s4] =	stream.linear.scatter [tilespmem:s0], [sflag:$0xC], $0x4000, $0x38;
	[tilespmem:$0x19C00] =	vst v63  }
0x8f: {  	_ =	swait.ge [sflag:s15], $0x4000  }
0x90: {  	s16 =	sadd.s32 $0x300000, s16;
	s25 =	sadd.s32 $0x60000, s25;
	[sflag:s15] =	ssyncset.done $0x0  }
.Ltmp0:
0x91: {  	s3 =	sadd.s32 $0x580, s24;
	[sflag:s15] =	ssyncadd.s32 $0xFFFFC000;
	(pc) =	sbr.rel @p0 .LBB2_2-.Ltmp0, $4  }
0x92: {  	[tilespmem:s0], [sflag:$0x6] =	stream.indirect.gather [hbm4b:s1+s26], $0x80, s3, s26, $0xb8;
	[tilespmem:$0x19C00] =	vst v63  }
0x93: {  	s18 =	sadd.s32 $0x60000, s18;
	s17 =	sadd.s32 $0x60000, s17;
	_ =	swait.ge [sflag:s22], $0x4000  }
0x94: {  	s19 =	sadd.s32 $0x60000, s19;
	s3 =	sshrl.u32 s21, $0x3;
	[sflag:s22] =	ssyncset.done $0x0  }
0x95: {  	s20 =	sadd.s32 $0x60000, s20;
	s21 =	sadd.s32 s28, s3;
	[sflag:s22] =	ssyncadd.s32 $0xFFFFC000  }
0x96: {  	s6 =	simm.s32 $0x1C00  }
0x97: {  	[hbm4b:s21+s4] =	stream.linear.scatter [tilespmem:s6], [sflag:$0x7], $0x4000, $0x38;
	[tilespmem:$0x19C00] =	vst v63  }
0x98: {  	_ =	swait.ge [sflag:s30], $0x4000  }
0x99: {  	[sflag:s30] =	ssyncset.done $0x0  }
0x9a: {  	s17 =	simm.s32 $0x1800;
	[sflag:s30] =	ssyncadd.s32 $0xFFFFC000  }
0x9b: {  	[tilespmem:s6], [sflag:$0x1] =	stream.indirect.gather [hbm4b:s1+s26], $0x80, s17, s26, $0xb8;
	[tilespmem:$0x19C00] =	vst v63  }
0x9c: {  	_ =	swait.ge [sflag:s7], $0x4000  }
0x9d: {  	[sflag:s7] =	ssyncset.done $0x0  }
0x9e: {  	s16 =	simm.s32 $0x5C00;
	s3 =	rddreg [dreg:$0x7];
	[sflag:s7] =	ssyncadd.s32 $0xFFFFC000  }
0x9f: {  	[hbm4b:s3+s4] =	stream.linear.scatter [tilespmem:s16], [sflag:$0x8], $0x4000, $0x38;
	[tilespmem:$0x19C00] =	vst v63  }
0xa0: {  	_ =	swait.ge [sflag:s8], $0x4000  }
0xa1: {  	[sflag:s8] =	ssyncset.done $0x0  }
0xa2: {  	s25 =	simm.s32 $0x1880;
	[sflag:s8] =	ssyncadd.s32 $0xFFFFC000  }
0xa3: {  	[tilespmem:s16], [sflag:$0x2] =	stream.indirect.gather [hbm4b:s1+s26], $0x80, s25, s26, $0xb8;
	[tilespmem:$0x19C00] =	vst v63  }
0xa4: {  	_ =	swait.ge [sflag:s9], $0x4000  }
0xa5: {  	[sflag:s9] =	ssyncset.done $0x0  }
0xa6: {  	s29 =	rddreg [dreg:$0x8];
	[sflag:s9] =	ssyncadd.s32 $0xFFFFC000  }
0xa7: {  	[hbm4b:s29+s4] =	stream.linear.scatter [tilespmem:s31], [sflag:$0x9], $0x4000, $0x38;
	[tilespmem:$0x19C00] =	vst v63  }
0xa8: {  	_ =	swait.ge [sflag:s10], $0x4000  }
0xa9: {  	[sflag:s10] =	ssyncset.done $0x0  }
0xaa: {  	[sflag:s10] =	ssyncadd.s32 $0xFFFFC000  }
0xab: {  	_ =	swait.ge [sflag:s11], $0x4000  }
0xac: {  	[sflag:s11] =	ssyncset.done $0x0  }
0xad: {  	s18 =	rddreg [dreg:$0x9];
	[sflag:s11] =	ssyncadd.s32 $0xFFFFC000  }
0xae: {  	[hbm4b:s18+s4] =	stream.linear.scatter [tilespmem:s2], [sflag:$0xA], $0x4000, $0x38;
	[tilespmem:$0x19C00] =	vst v63  }
0xaf: {  	_ =	swait.ge [sflag:s12], $0x4000  }
0xb0: {  	[sflag:s12] =	ssyncset.done $0x0  }
0xb1: {  	[sflag:s12] =	ssyncadd.s32 $0xFFFFC000  }
0xb2: {  	_ =	swait.ge [sflag:s5], $0x4000  }
0xb3: {  	[sflag:s5] =	ssyncset.done $0x0  }
0xb4: {  	s19 =	rddreg [dreg:$0xa];
	[sflag:s5] =	ssyncadd.s32 $0xFFFFC000  }
0xb5: {  	[hbm4b:s19+s4] =	stream.linear.scatter [tilespmem:s23], [sflag:$0xB], $0x4000, $0x38;
	[tilespmem:$0x19C00] =	vst v63  }
0xb6: {  	_ =	swait.ge [sflag:s13], $0x4000  }
0xb7: {  	[sflag:s13] =	ssyncset.done $0x0  }
0xb8: {  	[sflag:s13] =	ssyncadd.s32 $0xFFFFC000  }
0xb9: {  	_ =	swait.ge [sflag:s14], $0x4000  }
0xba: {  	[sflag:s14] =	ssyncset.done $0x0  }
0xbb: {  	s20 =	rddreg [dreg:$0xb];
	[sflag:s14] =	ssyncadd.s32 $0xFFFFC000  }
0xbc: {  	[hbm4b:s20+s4] =	stream.linear.scatter [tilespmem:s0], [sflag:$0xC], $0x4000, $0x38;
	[tilespmem:$0x19C00] =	vst v63  }
0xbd: {  	_ =	swait.ge [sflag:s15], $0x4000  }
0xbe: {  	[sflag:s15] =	ssyncset.done $0x0  }
0xbf: {  	[sflag:s15] =	ssyncadd.s32 $0xFFFFC000  }
0xc0: {  	_ =	swait.ge [sflag:s22], $0x4000  }
0xc1: {  	[sflag:s22] =	ssyncset.done $0x0  }
0xc2: {  	s21 =	rddreg [dreg:$0xc];
	[sflag:s22] =	ssyncadd.s32 $0xFFFFC000  }
0xc3: {  	[hbm4b:s21+s4] =	stream.linear.scatter [tilespmem:s6], [sflag:$0x7], $0x4000, $0x38;
	[tilespmem:$0x19C00] =	vst v63  }
0xc4: {  	_ =	swait.ge [sflag:s30], $0x4000  }
0xc5: {  	[sflag:s30] =	ssyncset.done $0x0  }
0xc6: {  	[sflag:s30] =	ssyncadd.s32 $0xFFFFC000  }
0xc7: {  	_ =	swait.ge [sflag:s7], $0x4000  }
0xc8: {  	[sflag:s7] =	ssyncset.done $0x0  }
0xc9: {  	s24 =	rddreg [dreg:$0xd];
	[sflag:s7] =	ssyncadd.s32 $0xFFFFC000  }
0xca: {  	[hbm4b:s24+s4] =	stream.linear.scatter [tilespmem:s16], [sflag:$0x8], $0x4000, $0x38;
	[tilespmem:$0x19C00] =	vst v63  }
0xcb: {  	_ =	swait.ge [sflag:s8], $0x4000  }
0xcc: {  	s25 =	rddreg [dreg:$0x15]  }
0xcd: {  	s29 =	rddreg [dreg:$0xe];
	s6 =	sadd.s32 $0x1, s25  }
0xce: {  	p0 =	sne.s32 s6, s29  }
.Ltmp1:
0xcf: {  	_ = 	snop;
	(pc) =	sbr.rel @p0 .LBB2_1-.Ltmp1, $3  }
0xd0: {  	_ =	sdelay $0x1  }
0xd1: {  	[sflag:s8] =	ssyncset.done $0x0  }
0xd2: {  	[sflag:s8] =	ssyncadd.s32 $0xFFFFC000  }
0xd3: {  	_ =	sfence.sel $0x180000  }
0xd4: {  	[bflag:$0x0] =	sbarrier.arrive $0xFFFF  }
0xd5: {  	_ =	strace $0x90000047  }
0xd6: {  	s0 =	stileid.u32;
	[bflag:$0x2] =	sbarrier.arrive $0xFFFF  }
0xd7: {  	p0 =	sne.s32 s0, $0x0;
	s0 =	rddreg [dreg:$0x3]  }
0xd8: {  	s0 =	sadd.s32 @!p0 $0x100000, s0  }
0xd9: {  	[sflag:s0] =	ssyncadd.tile.s32 @!p0 $0x1;
	_ =	shalt  }
.Lfunc_end2:
_tile_overlayer_lowered:
.L_overlay_start_2:
0xda: {  	(tag) =	ssettag $0x2  }
0xdb: {  	s0 =	rddreg [dreg:$0x0];
	s2 =	stileid.u32  }
0xdc: {  	s1 =	rddreg [dreg:$0x1];
	p0 =	sne.s32 s2, $0x0  }
0xdd: {  	s3 =	rddreg [dreg:$0x2];
	[bflag:$0x3] =	sbarrier.arrive $0xFFFF;
	s2 =	simm.s32 @!p0 $0x1C0D  }
0xde: {  	[timem:s3], [sflag:s2] =	dma.local @!p0 [hbm:s0], s1  }
0xdf: {  	s0 =	simm.s32 @!p0 $0xD  }
0xe0: {  	_ =	swait.ge @!p0 [sflag:s0], s1  }
0xe1: {  	s1 =	ssub.s32 @!p0 $0x0, s1;
	[sflag:s0] =	ssyncset.done @!p0 $0x0  }
0xe2: {  	[sflag:s0] =	ssyncadd.s32 @!p0 s1  }
0xe3: {  	[bflag:$0x3] =	sbarrier.arrive $0xFFFF  }
0xe4: {  	_ =	shalt  }

</sc_bundles>
